<compile_context>
chip_gen: v7x
topology: tpu7x:2x2x1
jax: 0.10.2.dev20260603
libtpu: 0.0.44.dev20260713+nightly
codegen_flags: <defaults>
</compile_context>

<pallas_src>
import functools

import jax
import jax.numpy as jnp
from jax import lax
from jax.experimental import pallas as pl
from jax.experimental.pallas import tpu as pltpu
from jax.experimental.pallas import tpu_sc as plsc

NEG_INF = -10000000000.0
INV_TEMP = 2.0

_N = 100000
_E = 1600000
_D = 32

_CH = 512
_SUB = 128

_XE = _E // 4
_XB = 3200
_NB = _XE // _XB


def _proj_body(nodes_ref, w_ref, p_ref, q_ref):
    nb = nodes_ref[...]
    w = w_ref[...]
    p_ref[...] = jnp.dot(nb, w[0:_D, :], preferred_element_type=jnp.float32)
    q_ref[...] = jnp.dot(nb, w[_D:2 * _D, :], preferred_element_type=jnp.float32)


def _node_proj(node_reps, W1):
    blk = 5000
    grid = _N // blk
    return pl.pallas_call(
        _proj_body,
        grid=(grid,),
        in_specs=[
            pl.BlockSpec((blk, _D), lambda i: (i, 0)),
            pl.BlockSpec((3 * _D, _D), lambda i: (0, 0)),
        ],
        out_specs=[
            pl.BlockSpec((blk, _D), lambda i: (i, 0)),
            pl.BlockSpec((blk, _D), lambda i: (i, 0)),
        ],
        out_shape=[
            jax.ShapeDtypeStruct((_N, _D), jnp.float32),
            jax.ShapeDtypeStruct((_N, _D), jnp.float32),
        ],
    )(node_reps, W1)


def _sc_gather(P, Q, srcp, dstp, e_pad):
    info = plsc.get_sparse_core_info()
    nc, ns = info.num_cores, info.num_subcores
    nw = nc * ns
    per_w = e_pad // nw
    n_chunks = per_w // _CH
    mesh = plsc.VectorSubcoreMesh(core_axis_name="c", subcore_axis_name="s")

    @functools.partial(
        pl.kernel,
        mesh=mesh,
        compiler_params=pltpu.CompilerParams(use_tc_tiling_on_sc=False),
        out_type=[
            jax.ShapeDtypeStruct((e_pad, _D), jnp.float32),
            jax.ShapeDtypeStruct((e_pad, _D), jnp.float32),
        ],
        scratch_types=[
            pltpu.VMEM((_CH,), jnp.int32),
            pltpu.VMEM((_CH,), jnp.int32),
            pltpu.VMEM((_CH, _D), jnp.float32),
            pltpu.VMEM((_CH, _D), jnp.float32),
            pltpu.SemaphoreType.DMA,
            pltpu.SemaphoreType.DMA,
        ],
    )
    def k(p_hbm, q_hbm, src_hbm, dst_hbm, sa_hbm, sb_hbm,
          idx_s, idx_d, buf_a, buf_b, sem_a, sem_b):
        wid = lax.axis_index("s") * nc + lax.axis_index("c")

        def chunk(j, carry):
            base = wid * per_w + j * _CH
            pltpu.sync_copy(src_hbm.at[pl.ds(base, _CH)], idx_s)
            pltpu.sync_copy(dst_hbm.at[pl.ds(base, _CH)], idx_d)
            handles = []
            for k0 in range(0, _CH, _SUB):
                handles.append(pltpu.async_copy(
                    p_hbm.at[idx_s.at[pl.ds(k0, _SUB)]],
                    buf_a.at[pl.ds(k0, _SUB)], sem_a))
                handles.append(pltpu.async_copy(
                    q_hbm.at[idx_d.at[pl.ds(k0, _SUB)]],
                    buf_b.at[pl.ds(k0, _SUB)], sem_b))
            for h in handles:
                h.wait()
            pltpu.sync_copy(buf_a, sa_hbm.at[pl.ds(base, _CH)])
            pltpu.sync_copy(buf_b, sb_hbm.at[pl.ds(base, _CH)])
            return carry

        lax.fori_loop(0, n_chunks, chunk, 0)

    return k(P, Q, srcp, dstp)


def _score_body(sa_ref, sb_ref, er_ref, w_ref, b_ref, gr_ref, sr_ref, sel_ref,
                s_ref, gmax_ref, acc_ref):
    i = pl.program_id(0)
    w = w_ref[...]
    c = w[2 * _D:3 * _D, :]
    rows = lax.broadcasted_iota(jnp.int32, (128, 128), 0) // _D
    cols = lax.broadcasted_iota(jnp.int32, (128, 128), 1) // _D
    wbd = jnp.where(rows == cols, jnp.tile(c, (4, 4)), 0.0)
    btile = jnp.tile(b_ref[...], (1, 4))
    g = gr_ref[...] - sr_ref[...]
    gtile = jnp.tile(g, (1, 4))
    h = (sa_ref[...] + sb_ref[...]
         + jnp.dot(er_ref[...], wbd, preferred_element_type=jnp.float32)
         + btile)
    e = jnp.where(h > 0.0, h, jnp.exp(h) - 1.0)
    eb = e.astype(jnp.bfloat16).astype(jnp.float32)
    gb = gtile.astype(jnp.bfloat16).astype(jnp.float32)
    mt = jnp.transpose(eb * gb)
    m0 = -jnp.inf
    for j in range(4):
        s_j = jnp.sum(mt[_D * j:_D * (j + 1), :], axis=0)
        s_j = jnp.where(sel_ref[j, :] > 0, NEG_INF, s_j)
        s_ref[j, :] = s_j
        m0 = jnp.maximum(m0, jnp.max(s_j))
    prev = jnp.where(i == 0, -jnp.inf, acc_ref[0, 0])
    acc_ref[0, 0] = jnp.maximum(prev, m0)

    @pl.when(i == pl.num_programs(0) - 1)
    def _():
        gmax_ref[...] = jnp.full((1, 128), acc_ref[0, 0], jnp.float32)


def _scores(SAp, SBp, edge_p, W1, b1, graph_rep, subgraph_rep, sel4):
    return pl.pallas_call(
        _score_body,
        grid=(_NB,),
        in_specs=[
            pl.BlockSpec((_XB, 128), lambda i: (i, 0)),
            pl.BlockSpec((_XB, 128), lambda i: (i, 0)),
            pl.BlockSpec((_XB, 128), lambda i: (i, 0)),
            pl.BlockSpec((3 * _D, _D), lambda i: (0, 0)),
            pl.BlockSpec((1, _D), lambda i: (0, 0)),
            pl.BlockSpec((1, _D), lambda i: (0, 0)),
            pl.BlockSpec((1, _D), lambda i: (0, 0)),
            pl.BlockSpec((4, _XB), lambda i: (0, i)),
        ],
        out_specs=[
            pl.BlockSpec((4, _XB), lambda i: (0, i)),
            pl.BlockSpec((1, 128), lambda i: (0, 0)),
        ],
        out_shape=[
            jax.ShapeDtypeStruct((4, _XE), jnp.float32),
            jax.ShapeDtypeStruct((1, 128), jnp.float32),
        ],
        scratch_shapes=[pltpu.SMEM((1, 1), jnp.float32)],
    )(SAp, SBp, edge_p, W1,
      b1.reshape(1, _D), graph_rep.reshape(1, _D), subgraph_rep.reshape(1, _D),
      sel4)


def _exp_body(s_ref, gm_ref, p_ref, tot_ref, acc_ref):
    i = pl.program_id(0)
    m = gm_ref[0, 0]
    p = jnp.exp((s_ref[...] - m) * INV_TEMP)
    p_ref[...] = p
    prev = jnp.where(i == 0, 0.0, acc_ref[0, 0])
    acc_ref[0, 0] = prev + jnp.sum(p)

    @pl.when(i == pl.num_programs(0) - 1)
    def _():
        tot_ref[...] = jnp.full((1, 128), acc_ref[0, 0], jnp.float32)


def _exp_pass(scores, gmax):
    return pl.pallas_call(
        _exp_body,
        grid=(_NB,),
        in_specs=[
            pl.BlockSpec((4, _XB), lambda i: (0, i)),
            pl.BlockSpec((1, 128), lambda i: (0, 0)),
        ],
        out_specs=[
            pl.BlockSpec((4, _XB), lambda i: (0, i)),
            pl.BlockSpec((1, 128), lambda i: (0, 0)),
        ],
        out_shape=[
            jax.ShapeDtypeStruct((4, _XE), jnp.float32),
            jax.ShapeDtypeStruct((1, 128), jnp.float32),
        ],
        scratch_shapes=[pltpu.SMEM((1, 1), jnp.float32)],
    )(scores, gmax)


def _norm_body(p_ref, tot_ref, o_ref):
    o_ref[...] = p_ref[...] * (1.0 / tot_ref[0, 0])


def _normalize(p, tot):
    return pl.pallas_call(
        _norm_body,
        grid=(_NB,),
        in_specs=[
            pl.BlockSpec((4, _XB), lambda i: (0, i)),
            pl.BlockSpec((1, 128), lambda i: (0, 0)),
        ],
        out_specs=pl.BlockSpec((4, _XB), lambda i: (0, i)),
        out_shape=jax.ShapeDtypeStruct((4, _XE), jnp.float32),
    )(p, tot)


def kernel(node_reps, edge_reps, graph_rep, subgraph_rep, W1, b1, edge_index,
           selection):
    info = plsc.get_sparse_core_info()
    nw = info.num_cores * info.num_subcores
    gran = nw * _CH
    e_pad = ((_E + gran - 1) // gran) * gran

    P, Q = _node_proj(node_reps, W1)
    srcp = jnp.pad(edge_index[0], (0, e_pad - _E))
    dstp = jnp.pad(edge_index[1], (0, e_pad - _E))
    SA, SB = _sc_gather(P, Q, srcp, dstp, e_pad)

    SAp = SA.reshape(e_pad // 4, 128)
    SBp = SB.reshape(e_pad // 4, 128)
    edge_p = edge_reps.reshape(_XE, 128)
    sel4 = jnp.transpose(selection.astype(jnp.int32).reshape(_XE, 4))

    scores, gmax = _scores(SAp, SBp, edge_p, W1, b1, graph_rep, subgraph_rep,
                           sel4)
    p, tot = _exp_pass(scores, gmax)
    out = _normalize(p, tot)
    return jnp.transpose(out).reshape(_E)

# --- scband reference (transcript-rebuilt; emitter-appended) ---
"""Pipeline reference for scband-meta-rlscreener-pro-21277267984757 (READ-ONLY COPY).

The authoritative reference and input builder live on the scoring server;
editing this copy changes nothing except your own understanding.
"""

import jax, jax.numpy as jnp
import numpy as np

NEG_INF = -10000000000.0
TEMPERATURE = 0.5
N_NODES = 100000
N_EDGES = 1600000
D = 32


def setup_inputs(seed: int = 0) -> dict:
    key = jax.random.key(seed)
    ks = jax.random.split(key, 8)
    node_reps = jax.random.normal(ks[0], (N_NODES, D), dtype=jnp.float32)
    edge_reps = jax.random.normal(ks[1], (N_EDGES, D), dtype=jnp.float32)
    graph_rep = jax.random.normal(ks[2], (D,), dtype=jnp.float32)
    subgraph_rep = jax.random.normal(ks[3], (D,), dtype=jnp.float32)
    edge_index = jax.random.randint(ks[4], (2, N_EDGES), 0, N_NODES, dtype=jnp.int32)
    selection = jax.random.randint(ks[5], (N_EDGES,), 0, 2, dtype=jnp.int32) > 0
    # Learned params of edge_action_rep_generator = Sequential(Linear(96, 32), ELU())
    W1 = jax.random.normal(ks[6], (3 * D, D), dtype=jnp.float32) * (1.0 / np.sqrt(3 * D))
    b1 = jnp.zeros((D,), dtype=jnp.float32)
    return {
        "node_reps": node_reps,
        "edge_reps": edge_reps,
        "graph_rep": graph_rep,
        "subgraph_rep": subgraph_rep,
        "W1": W1,
        "b1": b1,
        "edge_index": edge_index,
        "selection": selection,
    }


def reference(node_reps, edge_reps, graph_rep, subgraph_rep, W1, b1, edge_index, selection):
    # tmp_vec = cat([node_reps[src], node_reps[dst], edge_reps], dim=1)  -> [E, 96]
    src = jnp.take(node_reps, edge_index[0], axis=0)
    dst = jnp.take(node_reps, edge_index[1], axis=0)
    tmp_vec = jnp.concatenate([src, dst, edge_reps], axis=1)
    # edge_action_rep_generator: Linear(96, 32) + ELU
    edge_action_reps = jax.nn.elu(tmp_vec @ W1 + b1)
    # estimate_edge_selection_prob
    graph_diff_rep = (graph_rep - subgraph_rep).reshape(-1, 1)  # [32, 1]
    action_prob = (edge_action_reps @ graph_diff_rep).reshape(-1)  # [E]
    # action_prob[selection] = NegINF
    action_prob = jnp.where(selection, NEG_INF, action_prob)
    action_prob = jax.nn.softmax(action_prob / TEMPERATURE)
    return action_prob


if False:  # reference __main__ guard neutralized (emitter)
    out = reference(**setup_inputs())
    print(out.shape, out.dtype, float(out.sum()))

if __name__ == "__main__":
    import jax
    _d = setup_inputs()
    print(jax.jit(kernel)(*tuple(_d.values())))

</pallas_src>

<mosaic_0001>
#map = affine_map<(d0, d1) -> (0, 0)>
#map1 = affine_map<(d0, d1) -> (0)>
module attributes {stable_mosaic.version = 14 : i64} {
  func.func @k(%arg0: i32, %arg1: i32, %arg2: memref<100000x32xf32, #tpu.memory_space<hbm>>, %arg3: memref<100000x32xf32, #tpu.memory_space<hbm>>, %arg4: memref<1605632xi32, #tpu.memory_space<hbm>>, %arg5: memref<1605632xi32, #tpu.memory_space<hbm>>, %arg6: memref<1605632x32xf32, #tpu.memory_space<hbm>>, %arg7: memref<1605632x32xf32, #tpu.memory_space<hbm>>, %arg8: memref<512xi32, #tpu.memory_space<vmem>>, %arg9: memref<512xi32, #tpu.memory_space<vmem>>, %arg10: memref<512x32xf32, #tpu.memory_space<vmem>>, %arg11: memref<512x32xf32, #tpu.memory_space<vmem>>, %arg12: memref<!tpu.dma_semaphore, #tpu.memory_space<semaphore_mem>>, %arg13: memref<!tpu.dma_semaphore, #tpu.memory_space<semaphore_mem>>) attributes {dimension_semantics = [#tpu.dimension_semantics<core_parallel>, #tpu.dimension_semantics<subcore_parallel>], iteration_bounds = array<i64: 2, 16>, scalar_prefetch = 0 : i64, scratch_operands = 6 : i64, tpu.core_type = #tpu.core_type<sc_vector_subcore>, window_params = [{transform_indices = #map}, {transform_indices = #map}, {transform_indices = #map1}, {transform_indices = #map1}, {transform_indices = #map}, {transform_indices = #map}]} {
    %mul3A = arith.constant 2 : i32
    %mul3A_0 = arith.muli %arg1, %mul3A : i32
    %add3A = arith.addi %mul3A_0, %arg0 : i32
    %scan3A = arith.constant 0 : i32
    %scan3A_1 = arith.constant 0 : i32
    %scan3A_2 = arith.constant 98 : i32
    %scan3A_3 = arith.addi %scan3A_1, %scan3A_2 : i32
    %scan3A_4 = arith.constant 1 : i32
    scf.for %scan3A_6 = %scan3A_1 to %scan3A_3 step %scan3A_4  : i32 {
      %mul3A_7 = arith.constant 50176 : i32
      %mul3A_8 = arith.muli %add3A, %mul3A_7 : i32
      %mul3A_9 = arith.constant 512 : i32
      %mul3A_10 = arith.muli %scan3A_6, %mul3A_9 : i32
      %add3A_11 = arith.addi %mul3A_8, %mul3A_10 : i32
      "tpu.region"() ({
        %run_scoped3A = tpu.sem_alloc : memref<!tpu.dma_semaphore, #tpu.memory_space<semaphore_mem>>
        %dma_start3A_138 = tpu.memref_slice %arg4[%add3A_11] : memref<1605632xi32, #tpu.memory_space<hbm>> -> memref<512xi32, #tpu.memory_space<hbm>>
        %dma_start3A_139 = tpu.memref_slice %arg4[%add3A_11] : memref<1605632xi32, #tpu.memory_space<hbm>> -> memref<512xi32, #tpu.memory_space<hbm>>
        tpu.enqueue_dma source(%dma_start3A_139 : memref<512xi32, #tpu.memory_space<hbm>>) target(%arg8 : memref<512xi32, #tpu.memory_space<vmem>>) target_semaphore(%run_scoped3A : memref<!tpu.dma_semaphore, #tpu.memory_space<semaphore_mem>>)
        %dma_wait3A_140 = tpu.memref_slice %arg4[%add3A_11] : memref<1605632xi32, #tpu.memory_space<hbm>> -> memref<512xi32, #tpu.memory_space<hbm>>
        %dma_wait3A_141 = tpu.memref_slice %arg4[%add3A_11] : memref<1605632xi32, #tpu.memory_space<hbm>> -> memref<512xi32, #tpu.memory_space<hbm>>
        tpu.wait_dma2 semaphore(%run_scoped3A : memref<!tpu.dma_semaphore, #tpu.memory_space<semaphore_mem>>) src(%dma_wait3A_141 : memref<512xi32, #tpu.memory_space<hbm>>) dst(%arg8 : memref<512xi32, #tpu.memory_space<vmem>>)
        tpu.yield
      }) : () -> ()
      "tpu.region"() ({
        %run_scoped3A = tpu.sem_alloc : memref<!tpu.dma_semaphore, #tpu.memory_space<semaphore_mem>>
        %dma_start3A_138 = tpu.memref_slice %arg5[%add3A_11] : memref<1605632xi32, #tpu.memory_space<hbm>> -> memref<512xi32, #tpu.memory_space<hbm>>
        %dma_start3A_139 = tpu.memref_slice %arg5[%add3A_11] : memref<1605632xi32, #tpu.memory_space<hbm>> -> memref<512xi32, #tpu.memory_space<hbm>>
        tpu.enqueue_dma source(%dma_start3A_139 : memref<512xi32, #tpu.memory_space<hbm>>) target(%arg9 : memref<512xi32, #tpu.memory_space<vmem>>) target_semaphore(%run_scoped3A : memref<!tpu.dma_semaphore, #tpu.memory_space<semaphore_mem>>)
        %dma_wait3A_140 = tpu.memref_slice %arg5[%add3A_11] : memref<1605632xi32, #tpu.memory_space<hbm>> -> memref<512xi32, #tpu.memory_space<hbm>>
        %dma_wait3A_141 = tpu.memref_slice %arg5[%add3A_11] : memref<1605632xi32, #tpu.memory_space<hbm>> -> memref<512xi32, #tpu.memory_space<hbm>>
        tpu.wait_dma2 semaphore(%run_scoped3A : memref<!tpu.dma_semaphore, #tpu.memory_space<semaphore_mem>>) src(%dma_wait3A_141 : memref<512xi32, #tpu.memory_space<hbm>>) dst(%arg9 : memref<512xi32, #tpu.memory_space<vmem>>)
        tpu.yield
      }) : () -> ()
      %dma_start3A = arith.constant 0 : i32
      %dma_start3A_12 = arith.constant 0 : i32
      %dma_start3A_13 = tpu.memref_slice %arg10[%dma_start3A, %dma_start3A_12] : memref<512x32xf32, #tpu.memory_space<vmem>> -> memref<128x32xf32, #tpu.memory_space<vmem>>
      %dma_start3A_14 = arith.constant 0 : i32
      %dma_start3A_15 = tpu.memref_slice %arg8[%dma_start3A_14] : memref<512xi32, #tpu.memory_space<vmem>> -> memref<128xi32, #tpu.memory_space<vmem>>
      %dma_start3A_16 = arith.constant 0 : i32
      %dma_start3A_17 = arith.constant 0 : i32
      %dma_start3A_18 = tpu.memref_slice %arg2[%dma_start3A_16, %dma_start3A_17] : memref<100000x32xf32, #tpu.memory_space<hbm>> -> memref<100000x32xf32, #tpu.memory_space<hbm>>
      tpu.enqueue_indirect_dma source(%dma_start3A_18 : memref<100000x32xf32, #tpu.memory_space<hbm>>) target(%dma_start3A_13 : memref<128x32xf32, #tpu.memory_space<vmem>>) offsets(%dma_start3A_15 : memref<128xi32, #tpu.memory_space<vmem>>) semaphore(%arg12 : memref<!tpu.dma_semaphore, #tpu.memory_space<semaphore_mem>>)
      %dma_start3A_19 = arith.constant 0 : i32
      %dma_start3A_20 = arith.constant 0 : i32
      %dma_start3A_21 = tpu.memref_slice %arg11[%dma_start3A_19, %dma_start3A_20] : memref<512x32xf32, #tpu.memory_space<vmem>> -> memref<128x32xf32, #tpu.memory_space<vmem>>
      %dma_start3A_22 = arith.constant 0 : i32
      %dma_start3A_23 = tpu.memref_slice %arg9[%dma_start3A_22] : memref<512xi32, #tpu.memory_space<vmem>> -> memref<128xi32, #tpu.memory_space<vmem>>
      %dma_start3A_24 = arith.constant 0 : i32
      %dma_start3A_25 = arith.constant 0 : i32
      %dma_start3A_26 = tpu.memref_slice %arg3[%dma_start3A_24, %dma_start3A_25] : memref<100000x32xf32, #tpu.memory_space<hbm>> -> memref<100000x32xf32, #tpu.memory_space<hbm>>
      tpu.enqueue_indirect_dma source(%dma_start3A_26 : memref<100000x32xf32, #tpu.memory_space<hbm>>) target(%dma_start3A_21 : memref<128x32xf32, #tpu.memory_space<vmem>>) offsets(%dma_start3A_23 : memref<128xi32, #tpu.memory_space<vmem>>) semaphore(%arg13 : memref<!tpu.dma_semaphore, #tpu.memory_space<semaphore_mem>>)
      %dma_start3A_27 = arith.constant 128 : i32
      %dma_start3A_28 = arith.constant 0 : i32
      %dma_start3A_29 = tpu.memref_slice %arg10[%dma_start3A_27, %dma_start3A_28] : memref<512x32xf32, #tpu.memory_space<vmem>> -> memref<128x32xf32, #tpu.memory_space<vmem>>
      %dma_start3A_30 = arith.constant 128 : i32
      %dma_start3A_31 = tpu.memref_slice %arg8[%dma_start3A_30] : memref<512xi32, #tpu.memory_space<vmem>> -> memref<128xi32, #tpu.memory_space<vmem>>
      %dma_start3A_32 = arith.constant 0 : i32
      %dma_start3A_33 = arith.constant 0 : i32
      %dma_start3A_34 = tpu.memref_slice %arg2[%dma_start3A_32, %dma_start3A_33] : memref<100000x32xf32, #tpu.memory_space<hbm>> -> memref<100000x32xf32, #tpu.memory_space<hbm>>
      tpu.enqueue_indirect_dma source(%dma_start3A_34 : memref<100000x32xf32, #tpu.memory_space<hbm>>) target(%dma_start3A_29 : memref<128x32xf32, #tpu.memory_space<vmem>>) offsets(%dma_start3A_31 : memref<128xi32, #tpu.memory_space<vmem>>) semaphore(%arg12 : memref<!tpu.dma_semaphore, #tpu.memory_space<semaphore_mem>>)
      %dma_start3A_35 = arith.constant 128 : i32
      %dma_start3A_36 = arith.constant 0 : i32
      %dma_start3A_37 = tpu.memref_slice %arg11[%dma_start3A_35, %dma_start3A_36] : memref<512x32xf32, #tpu.memory_space<vmem>> -> memref<128x32xf32, #tpu.memory_space<vmem>>
      %dma_start3A_38 = arith.constant 128 : i32
      %dma_start3A_39 = tpu.memref_slice %arg9[%dma_start3A_38] : memref<512xi32, #tpu.memory_space<vmem>> -> memref<128xi32, #tpu.memory_space<vmem>>
      %dma_start3A_40 = arith.constant 0 : i32
      %dma_start3A_41 = arith.constant 0 : i32
      %dma_start3A_42 = tpu.memref_slice %arg3[%dma_start3A_40, %dma_start3A_41] : memref<100000x32xf32, #tpu.memory_space<hbm>> -> memref<100000x32xf32, #tpu.memory_space<hbm>>
      tpu.enqueue_indirect_dma source(%dma_start3A_42 : memref<100000x32xf32, #tpu.memory_space<hbm>>) target(%dma_start3A_37 : memref<128x32xf32, #tpu.memory_space<vmem>>) offsets(%dma_start3A_39 : memref<128xi32, #tpu.memory_space<vmem>>) semaphore(%arg13 : memref<!tpu.dma_semaphore, #tpu.memory_space<semaphore_mem>>)
      %dma_start3A_43 = arith.constant 256 : i32
      %dma_start3A_44 = arith.constant 0 : i32
      %dma_start3A_45 = tpu.memref_slice %arg10[%dma_start3A_43, %dma_start3A_44] : memref<512x32xf32, #tpu.memory_space<vmem>> -> memref<128x32xf32, #tpu.memory_space<vmem>>
      %dma_start3A_46 = arith.constant 256 : i32
      %dma_start3A_47 = tpu.memref_slice %arg8[%dma_start3A_46] : memref<512xi32, #tpu.memory_space<vmem>> -> memref<128xi32, #tpu.memory_space<vmem>>
      %dma_start3A_48 = arith.constant 0 : i32
      %dma_start3A_49 = arith.constant 0 : i32
      %dma_start3A_50 = tpu.memref_slice %arg2[%dma_start3A_48, %dma_start3A_49] : memref<100000x32xf32, #tpu.memory_space<hbm>> -> memref<100000x32xf32, #tpu.memory_space<hbm>>
      tpu.enqueue_indirect_dma source(%dma_start3A_50 : memref<100000x32xf32, #tpu.memory_space<hbm>>) target(%dma_start3A_45 : memref<128x32xf32, #tpu.memory_space<vmem>>) offsets(%dma_start3A_47 : memref<128xi32, #tpu.memory_space<vmem>>) semaphore(%arg12 : memref<!tpu.dma_semaphore, #tpu.memory_space<semaphore_mem>>)
      %dma_start3A_51 = arith.constant 256 : i32
      %dma_start3A_52 = arith.constant 0 : i32
      %dma_start3A_53 = tpu.memref_slice %arg11[%dma_start3A_51, %dma_start3A_52] : memref<512x32xf32, #tpu.memory_space<vmem>> -> memref<128x32xf32, #tpu.memory_space<vmem>>
      %dma_start3A_54 = arith.constant 256 : i32
      %dma_start3A_55 = tpu.memref_slice %arg9[%dma_start3A_54] : memref<512xi32, #tpu.memory_space<vmem>> -> memref<128xi32, #tpu.memory_space<vmem>>
      %dma_start3A_56 = arith.constant 0 : i32
      %dma_start3A_57 = arith.constant 0 : i32
      %dma_start3A_58 = tpu.memref_slice %arg3[%dma_start3A_56, %dma_start3A_57] : memref<100000x32xf32, #tpu.memory_space<hbm>> -> memref<100000x32xf32, #tpu.memory_space<hbm>>
      tpu.enqueue_indirect_dma source(%dma_start3A_58 : memref<100000x32xf32, #tpu.memory_space<hbm>>) target(%dma_start3A_53 : memref<128x32xf32, #tpu.memory_space<vmem>>) offsets(%dma_start3A_55 : memref<128xi32, #tpu.memory_space<vmem>>) semaphore(%arg13 : memref<!tpu.dma_semaphore, #tpu.memory_space<semaphore_mem>>)
      %dma_start3A_59 = arith.constant 384 : i32
      %dma_start3A_60 = arith.constant 0 : i32
      %dma_start3A_61 = tpu.memref_slice %arg10[%dma_start3A_59, %dma_start3A_60] : memref<512x32xf32, #tpu.memory_space<vmem>> -> memref<128x32xf32, #tpu.memory_space<vmem>>
      %dma_start3A_62 = arith.constant 384 : i32
      %dma_start3A_63 = tpu.memref_slice %arg8[%dma_start3A_62] : memref<512xi32, #tpu.memory_space<vmem>> -> memref<128xi32, #tpu.memory_space<vmem>>
      %dma_start3A_64 = arith.constant 0 : i32
      %dma_start3A_65 = arith.constant 0 : i32
      %dma_start3A_66 = tpu.memref_slice %arg2[%dma_start3A_64, %dma_start3A_65] : memref<100000x32xf32, #tpu.memory_space<hbm>> -> memref<100000x32xf32, #tpu.memory_space<hbm>>
      tpu.enqueue_indirect_dma source(%dma_start3A_66 : memref<100000x32xf32, #tpu.memory_space<hbm>>) target(%dma_start3A_61 : memref<128x32xf32, #tpu.memory_space<vmem>>) offsets(%dma_start3A_63 : memref<128xi32, #tpu.memory_space<vmem>>) semaphore(%arg12 : memref<!tpu.dma_semaphore, #tpu.memory_space<semaphore_mem>>)
      %dma_start3A_67 = arith.constant 384 : i32
      %dma_start3A_68 = arith.constant 0 : i32
      %dma_start3A_69 = tpu.memref_slice %arg11[%dma_start3A_67, %dma_start3A_68] : memref<512x32xf32, #tpu.memory_space<vmem>> -> memref<128x32xf32, #tpu.memory_space<vmem>>
      %dma_start3A_70 = arith.constant 384 : i32
      %dma_start3A_71 = tpu.memref_slice %arg9[%dma_start3A_70] : memref<512xi32, #tpu.memory_space<vmem>> -> memref<128xi32, #tpu.memory_space<vmem>>
      %dma_start3A_72 = arith.constant 0 : i32
      %dma_start3A_73 = arith.constant 0 : i32
      %dma_start3A_74 = tpu.memref_slice %arg3[%dma_start3A_72, %dma_start3A_73] : memref<100000x32xf32, #tpu.memory_space<hbm>> -> memref<100000x32xf32, #tpu.memory_space<hbm>>
      tpu.enqueue_indirect_dma source(%dma_start3A_74 : memref<100000x32xf32, #tpu.memory_space<hbm>>) target(%dma_start3A_69 : memref<128x32xf32, #tpu.memory_space<vmem>>) offsets(%dma_start3A_71 : memref<128xi32, #tpu.memory_space<vmem>>) semaphore(%arg13 : memref<!tpu.dma_semaphore, #tpu.memory_space<semaphore_mem>>)
      %dma_wait3A = arith.constant 0 : i32
      %dma_wait3A_75 = arith.constant 0 : i32
      %dma_wait3A_76 = tpu.memref_slice %arg10[%dma_wait3A, %dma_wait3A_75] : memref<512x32xf32, #tpu.memory_space<vmem>> -> memref<128x32xf32, #tpu.memory_space<vmem>>
      %dma_wait3A_77 = arith.constant 0 : i32
      %dma_wait3A_78 = tpu.memref_slice %arg8[%dma_wait3A_77] : memref<512xi32, #tpu.memory_space<vmem>> -> memref<128xi32, #tpu.memory_space<vmem>>
      %dma_wait3A_79 = arith.constant 0 : i32
      %dma_wait3A_80 = arith.constant 0 : i32
      %dma_wait3A_81 = tpu.memref_slice %arg2[%dma_wait3A_79, %dma_wait3A_80] : memref<100000x32xf32, #tpu.memory_space<hbm>> -> memref<100000x32xf32, #tpu.memory_space<hbm>>
      tpu.wait_indirect_dma semaphore(%arg12 : memref<!tpu.dma_semaphore, #tpu.memory_space<semaphore_mem>>) src(%dma_wait3A_81 : memref<100000x32xf32, #tpu.memory_space<hbm>>) dst(%dma_wait3A_76 : memref<128x32xf32, #tpu.memory_space<vmem>>)
      %dma_wait3A_82 = arith.constant 0 : i32
      %dma_wait3A_83 = arith.constant 0 : i32
      %dma_wait3A_84 = tpu.memref_slice %arg11[%dma_wait3A_82, %dma_wait3A_83] : memref<512x32xf32, #tpu.memory_space<vmem>> -> memref<128x32xf32, #tpu.memory_space<vmem>>
      %dma_wait3A_85 = arith.constant 0 : i32
      %dma_wait3A_86 = tpu.memref_slice %arg9[%dma_wait3A_85] : memref<512xi32, #tpu.memory_space<vmem>> -> memref<128xi32, #tpu.memory_space<vmem>>
      %dma_wait3A_87 = arith.constant 0 : i32
      %dma_wait3A_88 = arith.constant 0 : i32
      %dma_wait3A_89 = tpu.memref_slice %arg3[%dma_wait3A_87, %dma_wait3A_88] : memref<100000x32xf32, #tpu.memory_space<hbm>> -> memref<100000x32xf32, #tpu.memory_space<hbm>>
      tpu.wait_indirect_dma semaphore(%arg13 : memref<!tpu.dma_semaphore, #tpu.memory_space<semaphore_mem>>) src(%dma_wait3A_89 : memref<100000x32xf32, #tpu.memory_space<hbm>>) dst(%dma_wait3A_84 : memref<128x32xf32, #tpu.memory_space<vmem>>)
      %dma_wait3A_90 = arith.constant 128 : i32
      %dma_wait3A_91 = arith.constant 0 : i32
      %dma_wait3A_92 = tpu.memref_slice %arg10[%dma_wait3A_90, %dma_wait3A_91] : memref<512x32xf32, #tpu.memory_space<vmem>> -> memref<128x32xf32, #tpu.memory_space<vmem>>
      %dma_wait3A_93 = arith.constant 128 : i32
      %dma_wait3A_94 = tpu.memref_slice %arg8[%dma_wait3A_93] : memref<512xi32, #tpu.memory_space<vmem>> -> memref<128xi32, #tpu.memory_space<vmem>>
      %dma_wait3A_95 = arith.constant 0 : i32
      %dma_wait3A_96 = arith.constant 0 : i32
      %dma_wait3A_97 = tpu.memref_slice %arg2[%dma_wait3A_95, %dma_wait3A_96] : memref<100000x32xf32, #tpu.memory_space<hbm>> -> memref<100000x32xf32, #tpu.memory_space<hbm>>
      tpu.wait_indirect_dma semaphore(%arg12 : memref<!tpu.dma_semaphore, #tpu.memory_space<semaphore_mem>>) src(%dma_wait3A_97 : memref<100000x32xf32, #tpu.memory_space<hbm>>) dst(%dma_wait3A_92 : memref<128x32xf32, #tpu.memory_space<vmem>>)
      %dma_wait3A_98 = arith.constant 128 : i32
      %dma_wait3A_99 = arith.constant 0 : i32
      %dma_wait3A_100 = tpu.memref_slice %arg11[%dma_wait3A_98, %dma_wait3A_99] : memref<512x32xf32, #tpu.memory_space<vmem>> -> memref<128x32xf32, #tpu.memory_space<vmem>>
      %dma_wait3A_101 = arith.constant 128 : i32
      %dma_wait3A_102 = tpu.memref_slice %arg9[%dma_wait3A_101] : memref<512xi32, #tpu.memory_space<vmem>> -> memref<128xi32, #tpu.memory_space<vmem>>
      %dma_wait3A_103 = arith.constant 0 : i32
      %dma_wait3A_104 = arith.constant 0 : i32
      %dma_wait3A_105 = tpu.memref_slice %arg3[%dma_wait3A_103, %dma_wait3A_104] : memref<100000x32xf32, #tpu.memory_space<hbm>> -> memref<100000x32xf32, #tpu.memory_space<hbm>>
      tpu.wait_indirect_dma semaphore(%arg13 : memref<!tpu.dma_semaphore, #tpu.memory_space<semaphore_mem>>) src(%dma_wait3A_105 : memref<100000x32xf32, #tpu.memory_space<hbm>>) dst(%dma_wait3A_100 : memref<128x32xf32, #tpu.memory_space<vmem>>)
      %dma_wait3A_106 = arith.constant 256 : i32
      %dma_wait3A_107 = arith.constant 0 : i32
      %dma_wait3A_108 = tpu.memref_slice %arg10[%dma_wait3A_106, %dma_wait3A_107] : memref<512x32xf32, #tpu.memory_space<vmem>> -> memref<128x32xf32, #tpu.memory_space<vmem>>
      %dma_wait3A_109 = arith.constant 256 : i32
      %dma_wait3A_110 = tpu.memref_slice %arg8[%dma_wait3A_109] : memref<512xi32, #tpu.memory_space<vmem>> -> memref<128xi32, #tpu.memory_space<vmem>>
      %dma_wait3A_111 = arith.constant 0 : i32
      %dma_wait3A_112 = arith.constant 0 : i32
      %dma_wait3A_113 = tpu.memref_slice %arg2[%dma_wait3A_111, %dma_wait3A_112] : memref<100000x32xf32, #tpu.memory_space<hbm>> -> memref<100000x32xf32, #tpu.memory_space<hbm>>
      tpu.wait_indirect_dma semaphore(%arg12 : memref<!tpu.dma_semaphore, #tpu.memory_space<semaphore_mem>>) src(%dma_wait3A_113 : memref<100000x32xf32, #tpu.memory_space<hbm>>) dst(%dma_wait3A_108 : memref<128x32xf32, #tpu.memory_space<vmem>>)
      %dma_wait3A_114 = arith.constant 256 : i32
      %dma_wait3A_115 = arith.constant 0 : i32
      %dma_wait3A_116 = tpu.memref_slice %arg11[%dma_wait3A_114, %dma_wait3A_115] : memref<512x32xf32, #tpu.memory_space<vmem>> -> memref<128x32xf32, #tpu.memory_space<vmem>>
      %dma_wait3A_117 = arith.constant 256 : i32
      %dma_wait3A_118 = tpu.memref_slice %arg9[%dma_wait3A_117] : memref<512xi32, #tpu.memory_space<vmem>> -> memref<128xi32, #tpu.memory_space<vmem>>
      %dma_wait3A_119 = arith.constant 0 : i32
      %dma_wait3A_120 = arith.constant 0 : i32
      %dma_wait3A_121 = tpu.memref_slice %arg3[%dma_wait3A_119, %dma_wait3A_120] : memref<100000x32xf32, #tpu.memory_space<hbm>> -> memref<100000x32xf32, #tpu.memory_space<hbm>>
      tpu.wait_indirect_dma semaphore(%arg13 : memref<!tpu.dma_semaphore, #tpu.memory_space<semaphore_mem>>) src(%dma_wait3A_121 : memref<100000x32xf32, #tpu.memory_space<hbm>>) dst(%dma_wait3A_116 : memref<128x32xf32, #tpu.memory_space<vmem>>)
      %dma_wait3A_122 = arith.constant 384 : i32
      %dma_wait3A_123 = arith.constant 0 : i32
      %dma_wait3A_124 = tpu.memref_slice %arg10[%dma_wait3A_122, %dma_wait3A_123] : memref<512x32xf32, #tpu.memory_space<vmem>> -> memref<128x32xf32, #tpu.memory_space<vmem>>
      %dma_wait3A_125 = arith.constant 384 : i32
      %dma_wait3A_126 = tpu.memref_slice %arg8[%dma_wait3A_125] : memref<512xi32, #tpu.memory_space<vmem>> -> memref<128xi32, #tpu.memory_space<vmem>>
      %dma_wait3A_127 = arith.constant 0 : i32
      %dma_wait3A_128 = arith.constant 0 : i32
      %dma_wait3A_129 = tpu.memref_slice %arg2[%dma_wait3A_127, %dma_wait3A_128] : memref<100000x32xf32, #tpu.memory_space<hbm>> -> memref<100000x32xf32, #tpu.memory_space<hbm>>
      tpu.wait_indirect_dma semaphore(%arg12 : memref<!tpu.dma_semaphore, #tpu.memory_space<semaphore_mem>>) src(%dma_wait3A_129 : memref<100000x32xf32, #tpu.memory_space<hbm>>) dst(%dma_wait3A_124 : memref<128x32xf32, #tpu.memory_space<vmem>>)
      %dma_wait3A_130 = arith.constant 384 : i32
      %dma_wait3A_131 = arith.constant 0 : i32
      %dma_wait3A_132 = tpu.memref_slice %arg11[%dma_wait3A_130, %dma_wait3A_131] : memref<512x32xf32, #tpu.memory_space<vmem>> -> memref<128x32xf32, #tpu.memory_space<vmem>>
      %dma_wait3A_133 = arith.constant 384 : i32
      %dma_wait3A_134 = tpu.memref_slice %arg9[%dma_wait3A_133] : memref<512xi32, #tpu.memory_space<vmem>> -> memref<128xi32, #tpu.memory_space<vmem>>
      %dma_wait3A_135 = arith.constant 0 : i32
      %dma_wait3A_136 = arith.constant 0 : i32
      %dma_wait3A_137 = tpu.memref_slice %arg3[%dma_wait3A_135, %dma_wait3A_136] : memref<100000x32xf32, #tpu.memory_space<hbm>> -> memref<100000x32xf32, #tpu.memory_space<hbm>>
      tpu.wait_indirect_dma semaphore(%arg13 : memref<!tpu.dma_semaphore, #tpu.memory_space<semaphore_mem>>) src(%dma_wait3A_137 : memref<100000x32xf32, #tpu.memory_space<hbm>>) dst(%dma_wait3A_132 : memref<128x32xf32, #tpu.memory_space<vmem>>)
      "tpu.region"() ({
        %run_scoped3A = tpu.sem_alloc : memref<!tpu.dma_semaphore, #tpu.memory_space<semaphore_mem>>
        %dma_start3A_138 = arith.constant 0 : i32
        %dma_start3A_139 = tpu.memref_slice %arg6[%add3A_11, %dma_start3A_138] : memref<1605632x32xf32, #tpu.memory_space<hbm>> -> memref<512x32xf32, #tpu.memory_space<hbm>>
        %dma_start3A_140 = arith.constant 0 : i32
        %dma_start3A_141 = tpu.memref_slice %arg6[%add3A_11, %dma_start3A_140] : memref<1605632x32xf32, #tpu.memory_space<hbm>> -> memref<512x32xf32, #tpu.memory_space<hbm>>
        tpu.enqueue_dma source(%arg10 : memref<512x32xf32, #tpu.memory_space<vmem>>) target(%dma_start3A_141 : memref<512x32xf32, #tpu.memory_space<hbm>>) target_semaphore(%run_scoped3A : memref<!tpu.dma_semaphore, #tpu.memory_space<semaphore_mem>>)
        %dma_wait3A_142 = arith.constant 0 : i32
        %dma_wait3A_143 = tpu.memref_slice %arg6[%add3A_11, %dma_wait3A_142] : memref<1605632x32xf32, #tpu.memory_space<hbm>> -> memref<512x32xf32, #tpu.memory_space<hbm>>
        %dma_wait3A_144 = arith.constant 0 : i32
        %dma_wait3A_145 = tpu.memref_slice %arg6[%add3A_11, %dma_wait3A_144] : memref<1605632x32xf32, #tpu.memory_space<hbm>> -> memref<512x32xf32, #tpu.memory_space<hbm>>
        tpu.wait_dma2 semaphore(%run_scoped3A : memref<!tpu.dma_semaphore, #tpu.memory_space<semaphore_mem>>) src(%arg10 : memref<512x32xf32, #tpu.memory_space<vmem>>) dst(%dma_wait3A_145 : memref<512x32xf32, #tpu.memory_space<hbm>>)
        tpu.yield
      }) : () -> ()
      "tpu.region"() ({
        %run_scoped3A = tpu.sem_alloc : memref<!tpu.dma_semaphore, #tpu.memory_space<semaphore_mem>>
        %dma_start3A_138 = arith.constant 0 : i32
        %dma_start3A_139 = tpu.memref_slice %arg7[%add3A_11, %dma_start3A_138] : memref<1605632x32xf32, #tpu.memory_space<hbm>> -> memref<512x32xf32, #tpu.memory_space<hbm>>
        %dma_start3A_140 = arith.constant 0 : i32
        %dma_start3A_141 = tpu.memref_slice %arg7[%add3A_11, %dma_start3A_140] : memref<1605632x32xf32, #tpu.memory_space<hbm>> -> memref<512x32xf32, #tpu.memory_space<hbm>>
        tpu.enqueue_dma source(%arg11 : memref<512x32xf32, #tpu.memory_space<vmem>>) target(%dma_start3A_141 : memref<512x32xf32, #tpu.memory_space<hbm>>) target_semaphore(%run_scoped3A : memref<!tpu.dma_semaphore, #tpu.memory_space<semaphore_mem>>)
        %dma_wait3A_142 = arith.constant 0 : i32
        %dma_wait3A_143 = tpu.memref_slice %arg7[%add3A_11, %dma_wait3A_142] : memref<1605632x32xf32, #tpu.memory_space<hbm>> -> memref<512x32xf32, #tpu.memory_space<hbm>>
        %dma_wait3A_144 = arith.constant 0 : i32
        %dma_wait3A_145 = tpu.memref_slice %arg7[%add3A_11, %dma_wait3A_144] : memref<1605632x32xf32, #tpu.memory_space<hbm>> -> memref<512x32xf32, #tpu.memory_space<hbm>>
        tpu.wait_dma2 semaphore(%run_scoped3A : memref<!tpu.dma_semaphore, #tpu.memory_space<semaphore_mem>>) src(%arg11 : memref<512x32xf32, #tpu.memory_space<vmem>>) dst(%dma_wait3A_145 : memref<512x32xf32, #tpu.memory_space<hbm>>)
        tpu.yield
      }) : () -> ()
    }
    %scan3A_5 = arith.constant 98 : i32
    return
  }
}

module attributes {stable_mosaic.version = 14 : i64} {
  func.func @_proj_body(%arg0: i32, %arg1: memref<5000x32xf32, #tpu.memory_space<vmem>>, %arg2: memref<96x32xf32, #tpu.memory_space<vmem>>, %arg3: memref<5000x32xf32, #tpu.memory_space<vmem>>, %arg4: memref<5000x32xf32, #tpu.memory_space<vmem>>) attributes {dimension_semantics = [#tpu.dimension_semantics<arbitrary>], iteration_bounds = array<i64: 20>, scalar_prefetch = 0 : i64, scratch_operands = 0 : i64, tpu.core_type = #tpu.core_type<tc>, window_params = [{transform_indices = @transform_0, window_bounds = array<i64: 5000, 32>}, {pipeline_mode = #tpu.pipeline_mode<synchronous>, transform_indices = @transform_1, window_bounds = array<i64: 96, 32>}, {transform_indices = @transform_2, window_bounds = array<i64: 5000, 32>}, {transform_indices = @transform_3, window_bounds = array<i64: 5000, 32>}]} {
    %get3A = arith.constant 0 : index
    %get3A_0 = arith.constant 0 : index
    %get3A_1 = vector.load %arg1[%get3A, %get3A_0] : memref<5000x32xf32, #tpu.memory_space<vmem>>, vector<5000x32xf32>
    %get3A_2 = arith.constant 0 : index
    %get3A_3 = arith.constant 0 : index
    %get3A_4 = vector.load %arg2[%get3A_2, %get3A_3] : memref<96x32xf32, #tpu.memory_space<vmem>>, vector<96x32xf32>
    %slice3A = vector.extract_strided_slice %get3A_4 {offsets = [0, 0], sizes = [32, 32], strides = [1, 1]} : vector<96x32xf32> to vector<32x32xf32>
    %dot_general3A = arith.constant dense<0.000000e+00> : vector<5000x32xf32>
    %dot_general3A_5 = tpu.matmul %get3A_1, %slice3A, %dot_general3A {dimension_numbers = #tpu.dot_dimension_numbers<[1], [0], [0], [1], [0, 0, 1, 1], [], []>, transpose_lhs_hint = false} : vector<5000x32xf32>, vector<32x32xf32>, vector<5000x32xf32> -> vector<5000x32xf32>
    %swap3A = arith.constant 0 : index
    %swap3A_6 = arith.constant 0 : index
    %swap3A_7 = vector.load %arg3[%swap3A, %swap3A_6] : memref<5000x32xf32, #tpu.memory_space<vmem>>, vector<5000x32xf32>
    tpu.vector_store %arg3[%swap3A, %swap3A_6], %dot_general3A_5 {strides = array<i32>} : memref<5000x32xf32, #tpu.memory_space<vmem>>, vector<5000x32xf32>,
    %slice3A_8 = vector.extract_strided_slice %get3A_4 {offsets = [32, 0], sizes = [32, 32], strides = [1, 1]} : vector<96x32xf32> to vector<32x32xf32>
    %dot_general3A_9 = arith.constant dense<0.000000e+00> : vector<5000x32xf32>
    %dot_general3A_10 = tpu.matmul %get3A_1, %slice3A_8, %dot_general3A_9 {dimension_numbers = #tpu.dot_dimension_numbers<[1], [0], [0], [1], [0, 0, 1, 1], [], []>, transpose_lhs_hint = false} : vector<5000x32xf32>, vector<32x32xf32>, vector<5000x32xf32> -> vector<5000x32xf32>
    %swap3A_11 = arith.constant 0 : index
    %swap3A_12 = arith.constant 0 : index
    %swap3A_13 = vector.load %arg4[%swap3A_11, %swap3A_12] : memref<5000x32xf32, #tpu.memory_space<vmem>>, vector<5000x32xf32>
    tpu.vector_store %arg4[%swap3A_11, %swap3A_12], %dot_general3A_10 {strides = array<i32>} : memref<5000x32xf32, #tpu.memory_space<vmem>>, vector<5000x32xf32>,
    return
  }
  func.func @transform_0(%arg0: i32) -> (i32, i32) {
    %c0_i32 = arith.constant 0 : i32
    %c0_i32_0 = arith.constant 0 : i32
    return %arg0, %c0_i32 : i32, i32
  }
  func.func @transform_1(%arg0: i32) -> (i32, i32) {
    %c0_i32 = arith.constant 0 : i32
    %c0_i32_0 = arith.constant 0 : i32
    %c0_i32_1 = arith.constant 0 : i32
    return %c0_i32, %c0_i32_0 : i32, i32
  }
  func.func @transform_2(%arg0: i32) -> (i32, i32) {
    %c0_i32 = arith.constant 0 : i32
    %c0_i32_0 = arith.constant 0 : i32
    return %arg0, %c0_i32 : i32, i32
  }
  func.func @transform_3(%arg0: i32) -> (i32, i32) {
    %c0_i32 = arith.constant 0 : i32
    %c0_i32_0 = arith.constant 0 : i32
    return %arg0, %c0_i32 : i32, i32
  }
}

module attributes {stable_mosaic.version = 14 : i64} {
  func.func @_score_body(%arg0: i32, %arg1: memref<3200x128xf32, #tpu.memory_space<vmem>>, %arg2: memref<3200x128xf32, #tpu.memory_space<vmem>>, %arg3: memref<3200x128xf32, #tpu.memory_space<vmem>>, %arg4: memref<96x32xf32, #tpu.memory_space<vmem>>, %arg5: memref<1x32xf32, #tpu.memory_space<vmem>>, %arg6: memref<1x32xf32, #tpu.memory_space<vmem>>, %arg7: memref<1x32xf32, #tpu.memory_space<vmem>>, %arg8: memref<4x3200xi32, #tpu.memory_space<vmem>>, %arg9: memref<4x3200xf32, #tpu.memory_space<vmem>>, %arg10: memref<1x128xf32, #tpu.memory_space<vmem>>, %arg11: memref<1x1xf32, #tpu.memory_space<smem>>) attributes {dimension_semantics = [#tpu.dimension_semantics<arbitrary>], iteration_bounds = array<i64: 125>, scalar_prefetch = 0 : i64, scratch_operands = 1 : i64, tpu.core_type = #tpu.core_type<tc>, window_params = [{transform_indices = @transform_0, window_bounds = array<i64: 3200, 128>}, {transform_indices = @transform_1, window_bounds = array<i64: 3200, 128>}, {transform_indices = @transform_2, window_bounds = array<i64: 3200, 128>}, {pipeline_mode = #tpu.pipeline_mode<synchronous>, transform_indices = @transform_3, window_bounds = array<i64: 96, 32>}, {pipeline_mode = #tpu.pipeline_mode<synchronous>, transform_indices = @transform_4, window_bounds = array<i64: 1, 32>}, {pipeline_mode = #tpu.pipeline_mode<synchronous>, transform_indices = @transform_5, window_bounds = array<i64: 1, 32>}, {pipeline_mode = #tpu.pipeline_mode<synchronous>, transform_indices = @transform_6, window_bounds = array<i64: 1, 32>}, {transform_indices = @transform_7, window_bounds = array<i64: 4, 3200>}, {transform_indices = @transform_8, window_bounds = array<i64: 4, 3200>}, {pipeline_mode = #tpu.pipeline_mode<synchronous>, transform_indices = @transform_9, window_bounds = array<i64: 1, 128>}]} {
    %get3A = arith.constant 0 : index
    %get3A_0 = arith.constant 0 : index
    %get3A_1 = vector.load %arg4[%get3A, %get3A_0] : memref<96x32xf32, #tpu.memory_space<vmem>>, vector<96x32xf32>
    %slice3A = vector.extract_strided_slice %get3A_1 {offsets = [64, 0], sizes = [32, 32], strides = [1, 1]} : vector<96x32xf32> to vector<32x32xf32>
    %iota3A = tpu.iota {dimensions = array<i32: 0>} : vector<128x128xi32>
    %jit3A = arith.constant 32 : i32
    %div3A = vector.broadcast %jit3A : i32 to vector<128x128xi32>
    %div3A_2 = arith.divsi %iota3A, %div3A : vector<128x128xi32>
    %sign3A = arith.constant 0 : i32
    %sign3A_3 = vector.broadcast %sign3A : i32 to vector<128x128xi32>
    %sign3A_4 = arith.cmpi sgt, %iota3A, %sign3A_3 : vector<128x128xi32>
    %sign3A_5 = arith.extui %sign3A_4 : vector<128x128xi1> to vector<128x128xi32>
    %sign3A_6 = arith.constant 0 : i32
    %sign3A_7 = vector.broadcast %sign3A_6 : i32 to vector<128x128xi32>
    %sign3A_8 = arith.cmpi slt, %iota3A, %sign3A_7 : vector<128x128xi32>
    %sign3A_9 = arith.extui %sign3A_8 : vector<128x128xi1> to vector<128x128xi32>
    %sign3A_10 = arith.subi %sign3A_5, %sign3A_9 : vector<128x128xi32>
    %sign3A_11 = arith.constant 0 : i32
    %sign3A_12 = arith.cmpi sgt, %jit3A, %sign3A_11 : i32
    %sign3A_13 = arith.extui %sign3A_12 : i1 to i32
    %sign3A_14 = arith.constant 0 : i32
    %sign3A_15 = arith.cmpi slt, %jit3A, %sign3A_14 : i32
    %sign3A_16 = arith.extui %sign3A_15 : i1 to i32
    %sign3A_17 = arith.subi %sign3A_13, %sign3A_16 : i32
    %ne3A = vector.broadcast %sign3A_17 : i32 to vector<128x128xi32>
    %ne3A_18 = arith.cmpi ne, %sign3A_10, %ne3A : vector<128x128xi32>
    %rem3A = vector.broadcast %jit3A : i32 to vector<128x128xi32>
    %rem3A_19 = arith.remsi %iota3A, %rem3A : vector<128x128xi32>
    %ne3A_20 = arith.constant 0 : i32
    %ne3A_21 = vector.broadcast %ne3A_20 : i32 to vector<128x128xi32>
    %ne3A_22 = arith.cmpi ne, %rem3A_19, %ne3A_21 : vector<128x128xi32>
    %and3A = arith.andi %ne3A_18, %ne3A_22 : vector<128x128xi1>
    %sub3A = arith.constant 1 : i32
    %sub3A_23 = vector.broadcast %sub3A : i32 to vector<128x128xi32>
    %sub3A_24 = arith.subi %div3A_2, %sub3A_23 : vector<128x128xi32>
    %select_n3A = arith.select %and3A, %sub3A_24, %div3A_2 : vector<128x128xi1>, vector<128x128xi32>
    %iota3A_25 = tpu.iota {dimensions = array<i32: 1>} : vector<128x128xi32>
    %jit3A_26 = arith.constant 32 : i32
    %div3A_27 = vector.broadcast %jit3A_26 : i32 to vector<128x128xi32>
    %div3A_28 = arith.divsi %iota3A_25, %div3A_27 : vector<128x128xi32>
    %sign3A_29 = arith.constant 0 : i32
    %sign3A_30 = vector.broadcast %sign3A_29 : i32 to vector<128x128xi32>
    %sign3A_31 = arith.cmpi sgt, %iota3A_25, %sign3A_30 : vector<128x128xi32>
    %sign3A_32 = arith.extui %sign3A_31 : vector<128x128xi1> to vector<128x128xi32>
    %sign3A_33 = arith.constant 0 : i32
    %sign3A_34 = vector.broadcast %sign3A_33 : i32 to vector<128x128xi32>
    %sign3A_35 = arith.cmpi slt, %iota3A_25, %sign3A_34 : vector<128x128xi32>
    %sign3A_36 = arith.extui %sign3A_35 : vector<128x128xi1> to vector<128x128xi32>
    %sign3A_37 = arith.subi %sign3A_32, %sign3A_36 : vector<128x128xi32>
    %sign3A_38 = arith.constant 0 : i32
    %sign3A_39 = arith.cmpi sgt, %jit3A_26, %sign3A_38 : i32
    %sign3A_40 = arith.extui %sign3A_39 : i1 to i32
    %sign3A_41 = arith.constant 0 : i32
    %sign3A_42 = arith.cmpi slt, %jit3A_26, %sign3A_41 : i32
    %sign3A_43 = arith.extui %sign3A_42 : i1 to i32
    %sign3A_44 = arith.subi %sign3A_40, %sign3A_43 : i32
    %ne3A_45 = vector.broadcast %sign3A_44 : i32 to vector<128x128xi32>
    %ne3A_46 = arith.cmpi ne, %sign3A_37, %ne3A_45 : vector<128x128xi32>
    %rem3A_47 = vector.broadcast %jit3A_26 : i32 to vector<128x128xi32>
    %rem3A_48 = arith.remsi %iota3A_25, %rem3A_47 : vector<128x128xi32>
    %ne3A_49 = arith.constant 0 : i32
    %ne3A_50 = vector.broadcast %ne3A_49 : i32 to vector<128x128xi32>
    %ne3A_51 = arith.cmpi ne, %rem3A_48, %ne3A_50 : vector<128x128xi32>
    %and3A_52 = arith.andi %ne3A_46, %ne3A_51 : vector<128x128xi1>
    %sub3A_53 = arith.constant 1 : i32
    %sub3A_54 = vector.broadcast %sub3A_53 : i32 to vector<128x128xi32>
    %sub3A_55 = arith.subi %div3A_28, %sub3A_54 : vector<128x128xi32>
    %select_n3A_56 = arith.select %and3A_52, %sub3A_55, %div3A_28 : vector<128x128xi1>, vector<128x128xi32>
    %eq3A = arith.cmpi eq, %select_n3A, %select_n3A_56 : vector<128x128xi32>
    %tile3A = tpu.concatenate %slice3A, %slice3A, %slice3A, %slice3A in 0 : vector<32x32xf32>, vector<32x32xf32>, vector<32x32xf32>, vector<32x32xf32> -> vector<128x32xf32>
    %tile3A_57 = tpu.concatenate %tile3A, %tile3A, %tile3A, %tile3A in 1 : vector<128x32xf32>, vector<128x32xf32>, vector<128x32xf32>, vector<128x32xf32> -> vector<128x128xf32>
    %jit3A_58 = arith.constant 0.000000e+00 : f32
    %broadcast_in_dim3A = vector.broadcast %jit3A_58 : f32 to vector<128x128xf32>
    %select_n3A_59 = arith.select %eq3A, %tile3A_57, %broadcast_in_dim3A : vector<128x128xi1>, vector<128x128xf32>
    %get3A_60 = arith.constant 0 : index
    %get3A_61 = arith.constant 0 : index
    %get3A_62 = vector.load %arg5[%get3A_60, %get3A_61] : memref<1x32xf32, #tpu.memory_space<vmem>>, vector<1x32xf32>
    %tile3A_63 = tpu.concatenate %get3A_62, %get3A_62, %get3A_62, %get3A_62 in 1 : vector<1x32xf32>, vector<1x32xf32>, vector<1x32xf32>, vector<1x32xf32> -> vector<1x128xf32>
    %get3A_64 = arith.constant 0 : index
    %get3A_65 = arith.constant 0 : index
    %get3A_66 = vector.load %arg6[%get3A_64, %get3A_65] : memref<1x32xf32, #tpu.memory_space<vmem>>, vector<1x32xf32>
    %get3A_67 = arith.constant 0 : index
    %get3A_68 = arith.constant 0 : index
    %get3A_69 = vector.load %arg7[%get3A_67, %get3A_68] : memref<1x32xf32, #tpu.memory_space<vmem>>, vector<1x32xf32>
    %sub3A_70 = arith.subf %get3A_66, %get3A_69 : vector<1x32xf32>
    %tile3A_71 = tpu.concatenate %sub3A_70, %sub3A_70, %sub3A_70, %sub3A_70 in 1 : vector<1x32xf32>, vector<1x32xf32>, vector<1x32xf32>, vector<1x32xf32> -> vector<1x128xf32>
    %get3A_72 = arith.constant 0 : index
    %get3A_73 = arith.constant 0 : index
    %get3A_74 = vector.load %arg1[%get3A_72, %get3A_73] : memref<3200x128xf32, #tpu.memory_space<vmem>>, vector<3200x128xf32>
    %get3A_75 = arith.constant 0 : index
    %get3A_76 = arith.constant 0 : index
    %get3A_77 = vector.load %arg2[%get3A_75, %get3A_76] : memref<3200x128xf32, #tpu.memory_space<vmem>>, vector<3200x128xf32>
    %add3A = arith.addf %get3A_74, %get3A_77 : vector<3200x128xf32>
    %get3A_78 = arith.constant 0 : index
    %get3A_79 = arith.constant 0 : index
    %get3A_80 = vector.load %arg3[%get3A_78, %get3A_79] : memref<3200x128xf32, #tpu.memory_space<vmem>>, vector<3200x128xf32>
    %dot_general3A = arith.constant dense<0.000000e+00> : vector<3200x128xf32>
    %dot_general3A_81 = tpu.matmul %get3A_80, %select_n3A_59, %dot_general3A {dimension_numbers = #tpu.dot_dimension_numbers<[1], [0], [0], [1], [0, 0, 1, 1], [], []>, transpose_lhs_hint = false} : vector<3200x128xf32>, vector<128x128xf32>, vector<3200x128xf32> -> vector<3200x128xf32>
    %add3A_82 = arith.addf %add3A, %dot_general3A_81 : vector<3200x128xf32>
    %add3A_83 = vector.broadcast %tile3A_63 : vector<1x128xf32> to vector<3200x128xf32>
    %add3A_84 = arith.addf %add3A_82, %add3A_83 : vector<3200x128xf32>
    %gt3A = arith.constant 0.000000e+00 : f32
    %gt3A_85 = vector.broadcast %gt3A : f32 to vector<3200x128xf32>
    %gt3A_86 = arith.cmpf ogt, %add3A_84, %gt3A_85 : vector<3200x128xf32>
    %exp3A = math.exp %add3A_84 : vector<3200x128xf32>
    %sub3A_87 = arith.constant 1.000000e+00 : f32
    %sub3A_88 = vector.broadcast %sub3A_87 : f32 to vector<3200x128xf32>
    %sub3A_89 = arith.subf %exp3A, %sub3A_88 : vector<3200x128xf32>
    %select_n3A_90 = arith.select %gt3A_86, %add3A_84, %sub3A_89 : vector<3200x128xi1>, vector<3200x128xf32>
    %convert_element_type3A = arith.truncf %select_n3A_90 : vector<3200x128xf32> to vector<3200x128xbf16>
    %convert_element_type3A_91 = arith.extf %convert_element_type3A : vector<3200x128xbf16> to vector<3200x128xf32>
    %convert_element_type3A_92 = arith.truncf %tile3A_71 : vector<1x128xf32> to vector<1x128xbf16>
    %convert_element_type3A_93 = arith.extf %convert_element_type3A_92 : vector<1x128xbf16> to vector<1x128xf32>
    %mul3A = vector.broadcast %convert_element_type3A_93 : vector<1x128xf32> to vector<3200x128xf32>
    %mul3A_94 = arith.mulf %convert_element_type3A_91, %mul3A : vector<3200x128xf32>
    %transpose3A = tpu.transpose %mul3A_94, [1, 0] : vector<3200x128xf32> -> vector<128x3200xf32>
    %slice3A_95 = vector.extract_strided_slice %transpose3A {offsets = [0, 0], sizes = [32, 3200], strides = [1, 1]} : vector<128x3200xf32> to vector<32x3200xf32>
    %reduce_sum3A = arith.constant dense<0.000000e+00> : vector<3200xf32>
    %reduce_sum3A_96 = vector.multi_reduction <add>, %slice3A_95, %reduce_sum3A [0] : vector<32x3200xf32> to vector<3200xf32>
    %get3A_97 = arith.constant 0 : index
    %get3A_98 = arith.constant 0 : index
    %get3A_99 = vector.load %arg8[%get3A_97, %get3A_98] : memref<4x3200xi32, #tpu.memory_space<vmem>>, vector<1x3200xi32>
    %get3A_100 = vector.shape_cast %get3A_99 : vector<1x3200xi32> to vector<3200xi32>
    %gt3A_101 = arith.constant 0 : i32
    %gt3A_102 = vector.broadcast %gt3A_101 : i32 to vector<3200xi32>
    %gt3A_103 = arith.cmpi sgt, %get3A_100, %gt3A_102 : vector<3200xi32>
    %jit3A_104 = arith.constant -1.000000e+10 : f32
    %broadcast_in_dim3A_105 = vector.broadcast %jit3A_104 : f32 to vector<3200xf32>
    %select_n3A_106 = arith.select %gt3A_103, %broadcast_in_dim3A_105, %reduce_sum3A_96 : vector<3200xi1>, vector<3200xf32>
    %swap3A = arith.constant 0 : index
    %swap3A_107 = arith.constant 0 : index
    %swap3A_108 = vector.load %arg9[%swap3A, %swap3A_107] : memref<4x3200xf32, #tpu.memory_space<vmem>>, vector<1x3200xf32>
    %swap3A_109 = vector.shape_cast %swap3A_108 : vector<1x3200xf32> to vector<3200xf32>
    %swap3A_110 = vector.shape_cast %select_n3A_106 : vector<3200xf32> to vector<1x3200xf32>
    tpu.vector_store %arg9[%swap3A, %swap3A_107], %swap3A_110 {strides = array<i32>} : memref<4x3200xf32, #tpu.memory_space<vmem>>, vector<1x3200xf32>,
    %reduce_max3A = vector.shape_cast %select_n3A_106 : vector<3200xf32> to vector<1x3200xf32>
    %reduce_max3A_111 = arith.constant dense<0xFF800000> : vector<1xf32>
    %reduce_max3A_112 = vector.multi_reduction <maximumf>, %reduce_max3A, %reduce_max3A_111 [1] : vector<1x3200xf32> to vector<1xf32>
    %reduce_max3A_113 = vector.shape_cast %reduce_max3A_112 : vector<1xf32> to vector<1x1xf32>
    %reduce_max3A_114 = vector.extract %reduce_max3A_113[0, 0] : f32 from vector<1x1xf32>
    %max3A = arith.constant 0xFF800000 : f32
    %max3A_115 = arith.maximumf %max3A, %reduce_max3A_114 : f32
    %slice3A_116 = vector.extract_strided_slice %transpose3A {offsets = [32, 0], sizes = [32, 3200], strides = [1, 1]} : vector<128x3200xf32> to vector<32x3200xf32>
    %reduce_sum3A_117 = arith.constant dense<0.000000e+00> : vector<3200xf32>
    %reduce_sum3A_118 = vector.multi_reduction <add>, %slice3A_116, %reduce_sum3A_117 [0] : vector<32x3200xf32> to vector<3200xf32>
    %get3A_119 = arith.constant 1 : index
    %get3A_120 = arith.constant 0 : index
    %get3A_121 = vector.load %arg8[%get3A_119, %get3A_120] : memref<4x3200xi32, #tpu.memory_space<vmem>>, vector<1x3200xi32>
    %get3A_122 = vector.shape_cast %get3A_121 : vector<1x3200xi32> to vector<3200xi32>
    %gt3A_123 = arith.constant 0 : i32
    %gt3A_124 = vector.broadcast %gt3A_123 : i32 to vector<3200xi32>
    %gt3A_125 = arith.cmpi sgt, %get3A_122, %gt3A_124 : vector<3200xi32>
    %jit3A_126 = arith.constant -1.000000e+10 : f32
    %broadcast_in_dim3A_127 = vector.broadcast %jit3A_126 : f32 to vector<3200xf32>
    %select_n3A_128 = arith.select %gt3A_125, %broadcast_in_dim3A_127, %reduce_sum3A_118 : vector<3200xi1>, vector<3200xf32>
    %swap3A_129 = arith.constant 1 : index
    %swap3A_130 = arith.constant 0 : index
    %swap3A_131 = vector.load %arg9[%swap3A_129, %swap3A_130] : memref<4x3200xf32, #tpu.memory_space<vmem>>, vector<1x3200xf32>
    %swap3A_132 = vector.shape_cast %swap3A_131 : vector<1x3200xf32> to vector<3200xf32>
    %swap3A_133 = vector.shape_cast %select_n3A_128 : vector<3200xf32> to vector<1x3200xf32>
    tpu.vector_store %arg9[%swap3A_129, %swap3A_130], %swap3A_133 {strides = array<i32>} : memref<4x3200xf32, #tpu.memory_space<vmem>>, vector<1x3200xf32>,
    %reduce_max3A_134 = vector.shape_cast %select_n3A_128 : vector<3200xf32> to vector<1x3200xf32>
    %reduce_max3A_135 = arith.constant dense<0xFF800000> : vector<1xf32>
    %reduce_max3A_136 = vector.multi_reduction <maximumf>, %reduce_max3A_134, %reduce_max3A_135 [1] : vector<1x3200xf32> to vector<1xf32>
    %reduce_max3A_137 = vector.shape_cast %reduce_max3A_136 : vector<1xf32> to vector<1x1xf32>
    %reduce_max3A_138 = vector.extract %reduce_max3A_137[0, 0] : f32 from vector<1x1xf32>
    %max3A_139 = arith.maximumf %max3A_115, %reduce_max3A_138 : f32
    %slice3A_140 = vector.extract_strided_slice %transpose3A {offsets = [64, 0], sizes = [32, 3200], strides = [1, 1]} : vector<128x3200xf32> to vector<32x3200xf32>
    %reduce_sum3A_141 = arith.constant dense<0.000000e+00> : vector<3200xf32>
    %reduce_sum3A_142 = vector.multi_reduction <add>, %slice3A_140, %reduce_sum3A_141 [0] : vector<32x3200xf32> to vector<3200xf32>
    %get3A_143 = arith.constant 2 : index
    %get3A_144 = arith.constant 0 : index
    %get3A_145 = vector.load %arg8[%get3A_143, %get3A_144] : memref<4x3200xi32, #tpu.memory_space<vmem>>, vector<1x3200xi32>
    %get3A_146 = vector.shape_cast %get3A_145 : vector<1x3200xi32> to vector<3200xi32>
    %gt3A_147 = arith.constant 0 : i32
    %gt3A_148 = vector.broadcast %gt3A_147 : i32 to vector<3200xi32>
    %gt3A_149 = arith.cmpi sgt, %get3A_146, %gt3A_148 : vector<3200xi32>
    %jit3A_150 = arith.constant -1.000000e+10 : f32
    %broadcast_in_dim3A_151 = vector.broadcast %jit3A_150 : f32 to vector<3200xf32>
    %select_n3A_152 = arith.select %gt3A_149, %broadcast_in_dim3A_151, %reduce_sum3A_142 : vector<3200xi1>, vector<3200xf32>
    %swap3A_153 = arith.constant 2 : index
    %swap3A_154 = arith.constant 0 : index
    %swap3A_155 = vector.load %arg9[%swap3A_153, %swap3A_154] : memref<4x3200xf32, #tpu.memory_space<vmem>>, vector<1x3200xf32>
    %swap3A_156 = vector.shape_cast %swap3A_155 : vector<1x3200xf32> to vector<3200xf32>
    %swap3A_157 = vector.shape_cast %select_n3A_152 : vector<3200xf32> to vector<1x3200xf32>
    tpu.vector_store %arg9[%swap3A_153, %swap3A_154], %swap3A_157 {strides = array<i32>} : memref<4x3200xf32, #tpu.memory_space<vmem>>, vector<1x3200xf32>,
    %reduce_max3A_158 = vector.shape_cast %select_n3A_152 : vector<3200xf32> to vector<1x3200xf32>
    %reduce_max3A_159 = arith.constant dense<0xFF800000> : vector<1xf32>
    %reduce_max3A_160 = vector.multi_reduction <maximumf>, %reduce_max3A_158, %reduce_max3A_159 [1] : vector<1x3200xf32> to vector<1xf32>
    %reduce_max3A_161 = vector.shape_cast %reduce_max3A_160 : vector<1xf32> to vector<1x1xf32>
    %reduce_max3A_162 = vector.extract %reduce_max3A_161[0, 0] : f32 from vector<1x1xf32>
    %max3A_163 = arith.maximumf %max3A_139, %reduce_max3A_162 : f32
    %slice3A_164 = vector.extract_strided_slice %transpose3A {offsets = [96, 0], sizes = [32, 3200], strides = [1, 1]} : vector<128x3200xf32> to vector<32x3200xf32>
    %reduce_sum3A_165 = arith.constant dense<0.000000e+00> : vector<3200xf32>
    %reduce_sum3A_166 = vector.multi_reduction <add>, %slice3A_164, %reduce_sum3A_165 [0] : vector<32x3200xf32> to vector<3200xf32>
    %get3A_167 = arith.constant 3 : index
    %get3A_168 = arith.constant 0 : index
    %get3A_169 = vector.load %arg8[%get3A_167, %get3A_168] : memref<4x3200xi32, #tpu.memory_space<vmem>>, vector<1x3200xi32>
    %get3A_170 = vector.shape_cast %get3A_169 : vector<1x3200xi32> to vector<3200xi32>
    %gt3A_171 = arith.constant 0 : i32
    %gt3A_172 = vector.broadcast %gt3A_171 : i32 to vector<3200xi32>
    %gt3A_173 = arith.cmpi sgt, %get3A_170, %gt3A_172 : vector<3200xi32>
    %jit3A_174 = arith.constant -1.000000e+10 : f32
    %broadcast_in_dim3A_175 = vector.broadcast %jit3A_174 : f32 to vector<3200xf32>
    %select_n3A_176 = arith.select %gt3A_173, %broadcast_in_dim3A_175, %reduce_sum3A_166 : vector<3200xi1>, vector<3200xf32>
    %swap3A_177 = arith.constant 3 : index
    %swap3A_178 = arith.constant 0 : index
    %swap3A_179 = vector.load %arg9[%swap3A_177, %swap3A_178] : memref<4x3200xf32, #tpu.memory_space<vmem>>, vector<1x3200xf32>
    %swap3A_180 = vector.shape_cast %swap3A_179 : vector<1x3200xf32> to vector<3200xf32>
    %swap3A_181 = vector.shape_cast %select_n3A_176 : vector<3200xf32> to vector<1x3200xf32>
    tpu.vector_store %arg9[%swap3A_177, %swap3A_178], %swap3A_181 {strides = array<i32>} : memref<4x3200xf32, #tpu.memory_space<vmem>>, vector<1x3200xf32>,
    %reduce_max3A_182 = vector.shape_cast %select_n3A_176 : vector<3200xf32> to vector<1x3200xf32>
    %reduce_max3A_183 = arith.constant dense<0xFF800000> : vector<1xf32>
    %reduce_max3A_184 = vector.multi_reduction <maximumf>, %reduce_max3A_182, %reduce_max3A_183 [1] : vector<1x3200xf32> to vector<1xf32>
    %reduce_max3A_185 = vector.shape_cast %reduce_max3A_184 : vector<1xf32> to vector<1x1xf32>
    %reduce_max3A_186 = vector.extract %reduce_max3A_185[0, 0] : f32 from vector<1x1xf32>
    %max3A_187 = arith.maximumf %max3A_163, %reduce_max3A_186 : f32
    %eq3A_188 = arith.constant 0 : i32
    %eq3A_189 = arith.cmpi eq, %arg0, %eq3A_188 : i32
    %get3A_190 = arith.constant 0 : index
    %get3A_191 = arith.constant 0 : index
    %get3A_192 = memref.load %arg11[%get3A_190, %get3A_191] : memref<1x1xf32, #tpu.memory_space<smem>>
    %jit3A_193 = arith.constant 0xFF800000 : f32
    %select_n3A_194 = arith.select %eq3A_189, %jit3A_193, %get3A_192 : f32
    %max3A_195 = arith.maximumf %select_n3A_194, %max3A_187 : f32
    %swap3A_196 = arith.constant 0 : index
    %swap3A_197 = arith.constant 0 : index
    %swap3A_198 = memref.load %arg11[%swap3A_196, %swap3A_197] : memref<1x1xf32, #tpu.memory_space<smem>>
    memref.store %max3A_195, %arg11[%swap3A_196, %swap3A_197] : memref<1x1xf32, #tpu.memory_space<smem>>
    %eq3A_199 = arith.constant 124 : i32
    %eq3A_200 = arith.cmpi eq, %arg0, %eq3A_199 : i32
    %convert_element_type3A_201 = arith.extui %eq3A_200 : i1 to i32
    %cond3A = arith.constant 0 : i32
    %cond3A_202 = arith.cmpi ne, %convert_element_type3A_201, %cond3A : i32
    scf.if %cond3A_202 {
      %get3A_203 = arith.constant 0 : index
      %get3A_204 = arith.constant 0 : index
      %get3A_205 = memref.load %arg11[%get3A_203, %get3A_204] : memref<1x1xf32, #tpu.memory_space<smem>>
      %broadcast_in_dim3A_206 = vector.broadcast %get3A_205 : f32 to vector<1x128xf32>
      %swap3A_207 = arith.constant 0 : index
      %swap3A_208 = arith.constant 0 : index
      %swap3A_209 = vector.load %arg10[%swap3A_207, %swap3A_208] : memref<1x128xf32, #tpu.memory_space<vmem>>, vector<1x128xf32>
      tpu.vector_store %arg10[%swap3A_207, %swap3A_208], %broadcast_in_dim3A_206 {strides = array<i32>} : memref<1x128xf32, #tpu.memory_space<vmem>>, vector<1x128xf32>,
    } else {
    }
    return
  }
  func.func @transform_0(%arg0: i32) -> (i32, i32) {
    %c0_i32 = arith.constant 0 : i32
    %c0_i32_0 = arith.constant 0 : i32
    return %arg0, %c0_i32 : i32, i32
  }
  func.func @transform_1(%arg0: i32) -> (i32, i32) {
    %c0_i32 = arith.constant 0 : i32
    %c0_i32_0 = arith.constant 0 : i32
    return %arg0, %c0_i32 : i32, i32
  }
  func.func @transform_2(%arg0: i32) -> (i32, i32) {
    %c0_i32 = arith.constant 0 : i32
    %c0_i32_0 = arith.constant 0 : i32
    return %arg0, %c0_i32 : i32, i32
  }
  func.func @transform_3(%arg0: i32) -> (i32, i32) {
    %c0_i32 = arith.constant 0 : i32
    %c0_i32_0 = arith.constant 0 : i32
    %c0_i32_1 = arith.constant 0 : i32
    return %c0_i32, %c0_i32_0 : i32, i32
  }
  func.func @transform_4(%arg0: i32) -> (i32, i32) {
    %c0_i32 = arith.constant 0 : i32
    %c0_i32_0 = arith.constant 0 : i32
    %c0_i32_1 = arith.constant 0 : i32
    return %c0_i32, %c0_i32_0 : i32, i32
  }
  func.func @transform_5(%arg0: i32) -> (i32, i32) {
    %c0_i32 = arith.constant 0 : i32
    %c0_i32_0 = arith.constant 0 : i32
    %c0_i32_1 = arith.constant 0 : i32
    return %c0_i32, %c0_i32_0 : i32, i32
  }
  func.func @transform_6(%arg0: i32) -> (i32, i32) {
    %c0_i32 = arith.constant 0 : i32
    %c0_i32_0 = arith.constant 0 : i32
    %c0_i32_1 = arith.constant 0 : i32
    return %c0_i32, %c0_i32_0 : i32, i32
  }
  func.func @transform_7(%arg0: i32) -> (i32, i32) {
    %c0_i32 = arith.constant 0 : i32
    %c0_i32_0 = arith.constant 0 : i32
    return %c0_i32, %arg0 : i32, i32
  }
  func.func @transform_8(%arg0: i32) -> (i32, i32) {
    %c0_i32 = arith.constant 0 : i32
    %c0_i32_0 = arith.constant 0 : i32
    return %c0_i32, %arg0 : i32, i32
  }
  func.func @transform_9(%arg0: i32) -> (i32, i32) {
    %c0_i32 = arith.constant 0 : i32
    %c0_i32_0 = arith.constant 0 : i32
    %c0_i32_1 = arith.constant 0 : i32
    return %c0_i32, %c0_i32_0 : i32, i32
  }
}

module attributes {stable_mosaic.version = 14 : i64} {
  func.func @_exp_body(%arg0: i32, %arg1: memref<4x3200xf32, #tpu.memory_space<vmem>>, %arg2: memref<1x128xf32, #tpu.memory_space<vmem>>, %arg3: memref<4x3200xf32, #tpu.memory_space<vmem>>, %arg4: memref<1x128xf32, #tpu.memory_space<vmem>>, %arg5: memref<1x1xf32, #tpu.memory_space<smem>>) attributes {dimension_semantics = [#tpu.dimension_semantics<arbitrary>], iteration_bounds = array<i64: 125>, scalar_prefetch = 0 : i64, scratch_operands = 1 : i64, tpu.core_type = #tpu.core_type<tc>, window_params = [{transform_indices = @transform_0, window_bounds = array<i64: 4, 3200>}, {pipeline_mode = #tpu.pipeline_mode<synchronous>, transform_indices = @transform_1, window_bounds = array<i64: 1, 128>}, {transform_indices = @transform_2, window_bounds = array<i64: 4, 3200>}, {pipeline_mode = #tpu.pipeline_mode<synchronous>, transform_indices = @transform_3, window_bounds = array<i64: 1, 128>}]} {
    %get3A = arith.constant 0 : index
    %get3A_0 = arith.constant 0 : index
    %get3A_1 = vector.load %arg2[%get3A, %get3A_0] : memref<1x128xf32, #tpu.memory_space<vmem>>, vector<1x1xf32>
    %get3A_2 = vector.extract %get3A_1[0, 0] : f32 from vector<1x1xf32>
    %get3A_3 = arith.constant 0 : index
    %get3A_4 = arith.constant 0 : index
    %get3A_5 = vector.load %arg1[%get3A_3, %get3A_4] : memref<4x3200xf32, #tpu.memory_space<vmem>>, vector<4x3200xf32>
    %sub3A = vector.broadcast %get3A_2 : f32 to vector<4x3200xf32>
    %sub3A_6 = arith.subf %get3A_5, %sub3A : vector<4x3200xf32>
    %mul3A = arith.constant 2.000000e+00 : f32
    %mul3A_7 = vector.broadcast %mul3A : f32 to vector<4x3200xf32>
    %mul3A_8 = arith.mulf %sub3A_6, %mul3A_7 : vector<4x3200xf32>
    %exp3A = math.exp %mul3A_8 : vector<4x3200xf32>
    %swap3A = arith.constant 0 : index
    %swap3A_9 = arith.constant 0 : index
    %swap3A_10 = vector.load %arg3[%swap3A, %swap3A_9] : memref<4x3200xf32, #tpu.memory_space<vmem>>, vector<4x3200xf32>
    tpu.vector_store %arg3[%swap3A, %swap3A_9], %exp3A {strides = array<i32>} : memref<4x3200xf32, #tpu.memory_space<vmem>>, vector<4x3200xf32>,
    %eq3A = arith.constant 0 : i32
    %eq3A_11 = arith.cmpi eq, %arg0, %eq3A : i32
    %get3A_12 = arith.constant 0 : index
    %get3A_13 = arith.constant 0 : index
    %get3A_14 = memref.load %arg5[%get3A_12, %get3A_13] : memref<1x1xf32, #tpu.memory_space<smem>>
    %jit3A = arith.constant 0.000000e+00 : f32
    %select_n3A = arith.select %eq3A_11, %jit3A, %get3A_14 : f32
    %reduce_sum3A = vector.shape_cast %exp3A : vector<4x3200xf32> to vector<1x4x3200xf32>
    %reduce_sum3A_15 = arith.constant dense<0.000000e+00> : vector<1xf32>
    %reduce_sum3A_16 = vector.multi_reduction <add>, %reduce_sum3A, %reduce_sum3A_15 [1, 2] : vector<1x4x3200xf32> to vector<1xf32>
    %reduce_sum3A_17 = vector.shape_cast %reduce_sum3A_16 : vector<1xf32> to vector<1x1x1xf32>
    %reduce_sum3A_18 = vector.extract %reduce_sum3A_17[0, 0, 0] : f32 from vector<1x1x1xf32>
    %add3A = arith.addf %select_n3A, %reduce_sum3A_18 : f32
    %swap3A_19 = arith.constant 0 : index
    %swap3A_20 = arith.constant 0 : index
    %swap3A_21 = memref.load %arg5[%swap3A_19, %swap3A_20] : memref<1x1xf32, #tpu.memory_space<smem>>
    memref.store %add3A, %arg5[%swap3A_19, %swap3A_20] : memref<1x1xf32, #tpu.memory_space<smem>>
    %eq3A_22 = arith.constant 124 : i32
    %eq3A_23 = arith.cmpi eq, %arg0, %eq3A_22 : i32
    %convert_element_type3A = arith.extui %eq3A_23 : i1 to i32
    %cond3A = arith.constant 0 : i32
    %cond3A_24 = arith.cmpi ne, %convert_element_type3A, %cond3A : i32
    scf.if %cond3A_24 {
      %get3A_25 = arith.constant 0 : index
      %get3A_26 = arith.constant 0 : index
      %get3A_27 = memref.load %arg5[%get3A_25, %get3A_26] : memref<1x1xf32, #tpu.memory_space<smem>>
      %broadcast_in_dim3A = vector.broadcast %get3A_27 : f32 to vector<1x128xf32>
      %swap3A_28 = arith.constant 0 : index
      %swap3A_29 = arith.constant 0 : index
      %swap3A_30 = vector.load %arg4[%swap3A_28, %swap3A_29] : memref<1x128xf32, #tpu.memory_space<vmem>>, vector<1x128xf32>
      tpu.vector_store %arg4[%swap3A_28, %swap3A_29], %broadcast_in_dim3A {strides = array<i32>} : memref<1x128xf32, #tpu.memory_space<vmem>>, vector<1x128xf32>,
    } else {
    }
    return
  }
  func.func @transform_0(%arg0: i32) -> (i32, i32) {
    %c0_i32 = arith.constant 0 : i32
    %c0_i32_0 = arith.constant 0 : i32
    return %c0_i32, %arg0 : i32, i32
  }
  func.func @transform_1(%arg0: i32) -> (i32, i32) {
    %c0_i32 = arith.constant 0 : i32
    %c0_i32_0 = arith.constant 0 : i32
    %c0_i32_1 = arith.constant 0 : i32
    return %c0_i32, %c0_i32_0 : i32, i32
  }
  func.func @transform_2(%arg0: i32) -> (i32, i32) {
    %c0_i32 = arith.constant 0 : i32
    %c0_i32_0 = arith.constant 0 : i32
    return %c0_i32, %arg0 : i32, i32
  }
  func.func @transform_3(%arg0: i32) -> (i32, i32) {
    %c0_i32 = arith.constant 0 : i32
    %c0_i32_0 = arith.constant 0 : i32
    %c0_i32_1 = arith.constant 0 : i32
    return %c0_i32, %c0_i32_0 : i32, i32
  }
}

module attributes {stable_mosaic.version = 14 : i64} {
  func.func @_norm_body(%arg0: i32, %arg1: memref<4x3200xf32, #tpu.memory_space<vmem>>, %arg2: memref<1x128xf32, #tpu.memory_space<vmem>>, %arg3: memref<4x3200xf32, #tpu.memory_space<vmem>>) attributes {dimension_semantics = [#tpu.dimension_semantics<arbitrary>], iteration_bounds = array<i64: 125>, scalar_prefetch = 0 : i64, scratch_operands = 0 : i64, tpu.core_type = #tpu.core_type<tc>, window_params = [{transform_indices = @transform_0, window_bounds = array<i64: 4, 3200>}, {pipeline_mode = #tpu.pipeline_mode<synchronous>, transform_indices = @transform_1, window_bounds = array<i64: 1, 128>}, {transform_indices = @transform_2, window_bounds = array<i64: 4, 3200>}]} {
    %get3A = arith.constant 0 : index
    %get3A_0 = arith.constant 0 : index
    %get3A_1 = vector.load %arg1[%get3A, %get3A_0] : memref<4x3200xf32, #tpu.memory_space<vmem>>, vector<4x3200xf32>
    %get3A_2 = arith.constant 0 : index
    %get3A_3 = arith.constant 0 : index
    %get3A_4 = vector.load %arg2[%get3A_2, %get3A_3] : memref<1x128xf32, #tpu.memory_space<vmem>>, vector<1x1xf32>
    %get3A_5 = vector.extract %get3A_4[0, 0] : f32 from vector<1x1xf32>
    %div3A = arith.constant 1.000000e+00 : f32
    %div3A_6 = arith.divf %div3A, %get3A_5 : f32
    %mul3A = vector.broadcast %div3A_6 : f32 to vector<4x3200xf32>
    %mul3A_7 = arith.mulf %get3A_1, %mul3A : vector<4x3200xf32>
    %swap3A = arith.constant 0 : index
    %swap3A_8 = arith.constant 0 : index
    %swap3A_9 = vector.load %arg3[%swap3A, %swap3A_8] : memref<4x3200xf32, #tpu.memory_space<vmem>>, vector<4x3200xf32>
    tpu.vector_store %arg3[%swap3A, %swap3A_8], %mul3A_7 {strides = array<i32>} : memref<4x3200xf32, #tpu.memory_space<vmem>>, vector<4x3200xf32>,
    return
  }
  func.func @transform_0(%arg0: i32) -> (i32, i32) {
    %c0_i32 = arith.constant 0 : i32
    %c0_i32_0 = arith.constant 0 : i32
    return %c0_i32, %arg0 : i32, i32
  }
  func.func @transform_1(%arg0: i32) -> (i32, i32) {
    %c0_i32 = arith.constant 0 : i32
    %c0_i32_0 = arith.constant 0 : i32
    %c0_i32_1 = arith.constant 0 : i32
    return %c0_i32, %c0_i32_0 : i32, i32
  }
  func.func @transform_2(%arg0: i32) -> (i32, i32) {
    %c0_i32 = arith.constant 0 : i32
    %c0_i32_0 = arith.constant 0 : i32
    return %c0_i32, %arg0 : i32, i32
  }
}

</mosaic_0001>

<sc_bundles>
// kernel: kernel.7.cloned.1.call-start
scs
__scs_entry_jumppad:
0x0: {  	(pc) =	sbr.rel $0x88, $3  }
0x1: {  	(tag) =	ssettag $0x0;
	lr =	simm.s32 $0x1  }
0x2: {  	[smem:$0x3F99] =	sst lr;
	_ =	strace $0xD0000000  }
0x3: {  	_ = 	snop  }
0x4: {  	_ = 	snop  }
0x5: {  	_ = 	snop  }
0x6: {  	_ = 	snop  }
0x7: {  	_ = 	snop  }
__scs_overlays_trampoline_lowered:
0x8: {  	[smem:$0x3FA8] =	sst s0  }
0x9: {  	[smem:$0x3FA9] =	sst s1  }
0xa: {  	[smem:$0x3FAA] =	sst s2  }
0xb: {  	[smem:$0x3FAB] =	sst s3  }
0xc: {  	[smem:$0x3FAC] =	sst s4  }
0xd: {  	[smem:$0x3FAD] =	sst s5  }
0xe: {  	[smem:$0x3FAE] =	sst s6  }
0xf: {  	[smem:$0x3FAF] =	sst s7  }
0x10: {  	[smem:$0x3FB0] =	sst s8  }
0x11: {  	[smem:$0x3FB1] =	sst s9;
	s0 =	simm.s32 @!p0 $0x0  }
0x12: {  	s1 =	sld [smem:$0x3F97];
	s0 =	simm.s32 @p0 $0x1  }
0x13: {  	[smem:$0x3FB2] =	sst s0;
	s0 =	simm.s32 @!p1 $0x0  }
0x14: {  	s2 =	sld [smem:$0x3F96];
	s0 =	simm.s32 @p1 $0x1  }
0x15: {  	[smem:$0x3FB3] =	sst s0;
	s0 =	simm.s32 @!p2 $0x0  }
0x16: {  	s3 =	sld [smem:$0x3FDB];
	s0 =	simm.s32 @p2 $0x1  }
0x17: {  	s4 =	simm.s32 $0x1BF5;
	[smem:$0x3FB5] =	sst s0  }
0x18: {  	s0 =	sld [smem:$0x3F98];
	_ =	swait.ge [sflag:s4], $0x0  }
0x19: {  	s7 =	sld [smem:$0x3F99]  }
0x1a: {  	s8 =	sadd.s32 $0xFFFFE003, lr  }
0x1b: {  	s9 =	sadd.s32 $0xFFFFFEF7, lr;
	s5 =	simm.s32 $0xFFFFFFFF;
	p2 =	slt.u32 s8, $0xFFFFF086  }
0x1c: {  	p1 =	slt.u32 s9, $0xF7A;
	s5 =	simm.s32 @!p2 $0x0  }
0x1d: {  	s5 =	simm.s32 @p1 $0x1;
	p0 =	seq.s32 s7, s2  }
0x1e: {  	s7 =	smul.u32 @!p0 $0xF7A, s2;
	p2 =	seq.s32 @!p0 s5, $0x0  }
0x1f: {  	s9 =	smul.u32 $0xF7A, s1;
	s8 =	simm.s32 @!p0 $0x1BF5;
	p2 =	por !p2, p0  }
0x20: {  	[sflag:s8] =	ssyncset.s32 @!p0 $0xFFFFF086;
	s6 =	sadd.s32 @!p0 s3, s7;
	s7 =	simm.s32 @!p0 $0x108  }
0x21: {  	s3 =	sadd.s32 s3, s9;
	s6 =	sadd.s32 @!p0 $0x88, s6;
	s7 =	simm.s32 @p2 $0x1082  }
0x22: {  	[simem:s7], [sflag:s8] =	dma.local @!p0 [hbm:s6], $0xF7A  }
0x23: {  	s9 =	sor.u32 $0xD0000000, s2;
	s6 =	simm.s32 $0x108;
	_ =	swait.ge @!p0 [sflag:s8], $0x0  }
0x24: {  	s3 =	sadd.s32 $0x88, s3;
	s6 =	simm.s32 @!p1 $0x1082;
	[sflag:s4] =	ssyncset.s32 $0xFFFFF086  }
0x25: {  	[simem:s6], [sflag:s4] =	dma.local [hbm:s3], $0xF7A  }
0x26: {  	[smem:$0x3F99] =	sst s1;
	(tag) =	ssettag s2;
	_ =	strace s9  }
0x27: {  	s1 =	sld [smem:$0x3FA9]  }
0x28: {  	s2 =	sld [smem:$0x3FAA]  }
0x29: {  	s4 =	sld [smem:$0x3FAC]  }
0x2a: {  	p0 =	seq.s32 s5, $0x0;
	s5 =	sld [smem:$0x3FAD]  }
0x2b: {  	s6 =	sld [smem:$0x3FAE]  }
0x2c: {  	s7 =	sld [smem:$0x3FAF]  }
0x2d: {  	s3 =	simm.s32 $0x108;
	s8 =	sld [smem:$0x3FB0]  }
0x2e: {  	s3 =	simm.s32 @!p0 $0x1082;
	s9 =	sld [smem:$0x3FB1]  }
0x2f: {  	lr =	sadd.s32 s0, s3;
	s0 =	sld [smem:$0x3FA8]  }
0x30: {  	s3 =	sld [smem:$0x3FAB]  }
0x31: {  	[smem:$0x3FB4] =	sst s10  }
0x32: {  	s10 =	sld [smem:$0x3FB2];
	_ =	sdelay $0x3  }
0x33: {  	p0 =	seq.s32 s10, $0x1;
	s10 =	sld [smem:$0x3FB4];
	_ =	sdelay $0x3  }
0x34: {  	[smem:$0x3FB4] =	sst s10  }
0x35: {  	s10 =	sld [smem:$0x3FB3];
	_ =	sdelay $0x3  }
0x36: {  	p1 =	seq.s32 s10, $0x1;
	s10 =	sld [smem:$0x3FB4];
	_ =	sdelay $0x3  }
0x37: {  	[smem:$0x3FB4] =	sst s10  }
0x38: {  	s10 =	sld [smem:$0x3FB5]  }
0x39: {  	_ = 	snop;
	(pc) =	sbr.ind lr, $3  }
0x3a: {  	_ = 	snop  }
0x3b: {  	_ = 	snop  }
0x3c: {  	p2 =	seq.s32 s10, $0x1;
	s10 =	sld [smem:$0x3FB4]  }
0x3d: {  	_ =	shalt  }
0x3e: {  	_ =	shalt  }
0x3f: {  	_ =	shalt  }
0x40: {  	_ =	shalt  }
0x41: {  	_ =	shalt  }
0x42: {  	_ =	shalt  }
0x43: {  	_ =	shalt  }
0x44: {  	_ =	shalt  }
0x45: {  	_ =	shalt  }
0x46: {  	_ =	shalt  }
0x47: {  	_ =	shalt  }
0x48: {  	_ =	shalt  }
0x49: {  	_ =	shalt  }
0x4a: {  	_ =	shalt  }
0x4b: {  	_ =	shalt  }
0x4c: {  	_ =	shalt  }
0x4d: {  	_ =	shalt  }
0x4e: {  	_ =	shalt  }
0x4f: {  	_ =	shalt  }
0x50: {  	_ =	shalt  }
0x51: {  	_ =	shalt  }
0x52: {  	_ =	shalt  }
0x53: {  	_ =	shalt  }
0x54: {  	_ =	shalt  }
0x55: {  	_ =	shalt  }
0x56: {  	_ =	shalt  }
0x57: {  	_ =	shalt  }
0x58: {  	_ =	shalt  }
0x59: {  	_ =	shalt  }
0x5a: {  	_ =	shalt  }
0x5b: {  	_ =	shalt  }
0x5c: {  	_ =	shalt  }
0x5d: {  	_ =	shalt  }
0x5e: {  	_ =	shalt  }
0x5f: {  	_ =	shalt  }
0x60: {  	_ =	shalt  }
0x61: {  	_ =	shalt  }
0x62: {  	_ =	shalt  }
0x63: {  	_ =	shalt  }
0x64: {  	_ =	shalt  }
0x65: {  	_ =	shalt  }
0x66: {  	_ =	shalt  }
0x67: {  	_ =	shalt  }
0x68: {  	_ =	shalt  }
0x69: {  	_ =	shalt  }
0x6a: {  	_ =	shalt  }
0x6b: {  	_ =	shalt  }
0x6c: {  	_ =	shalt  }
0x6d: {  	_ =	shalt  }
0x6e: {  	_ =	shalt  }
0x6f: {  	_ =	shalt  }
0x70: {  	_ =	shalt  }
0x71: {  	_ =	shalt  }
0x72: {  	_ =	shalt  }
0x73: {  	_ =	shalt  }
0x74: {  	_ =	shalt  }
0x75: {  	_ =	shalt  }
0x76: {  	_ =	shalt  }
0x77: {  	_ =	shalt  }
0x78: {  	_ =	shalt  }
0x79: {  	_ =	shalt  }
0x7a: {  	_ =	shalt  }
0x7b: {  	_ =	shalt  }
0x7c: {  	_ =	shalt  }
0x7d: {  	_ =	shalt  }
0x7e: {  	_ =	shalt  }
0x7f: {  	_ =	shalt  }
0x80: {  	_ =	shalt  }
0x81: {  	_ =	shalt  }
0x82: {  	_ =	shalt  }
0x83: {  	_ =	shalt  }
0x84: {  	_ =	shalt  }
0x85: {  	_ =	shalt  }
0x86: {  	_ =	shalt  }
0x87: {  	_ =	shalt  }
.Lfunc_end0:
.L_simem_size_0:
called_computation_lowered:
.L_overlay_start_0:
0x88: {  	s2 =	sld [smem:$0x3FD9]  }
0x89: {  	s3 =	sld [smem:$0x3FFE];
	_ =	sdelay $0x1  }
0x8a: {  	s1 =	srdreg.scid  }
0x8b: {  	s0 =	sand.u32 $0x1, s1  }
0x8c: {  	s16 =	sshll.u32 s0, $0xA;
	s2 =	sadd.s32 s3, s2  }
0x8d: {  	s2 =	sadd.s32 s2, s16  }
0x8e: {  	[smem:$0x3FC0] =	sst s2  }
0x8f: {  	_ = 	snop  }
0x90: {  	(tm) =	ssettm $0x1  }
0x91: {  	s17 =	sld [smem:$0x3FFB];
	_ =	sdelay $0x3  }
0x92: {  	_ =	strace s17  }
0x93: {  	s2 =	sld [smem:$0x3FFC];
	_ =	sdelay $0x3  }
0x94: {  	_ =	strace s2  }
0x95: {  	s2 =	sld [smem:$0x3FFD];
	_ =	sdelay $0x3  }
0x96: {  	_ =	strace s2  }
0x97: {  	_ =	strace $0x8FFFFFFF  }
0x98: {  	s18 =	sld [smem:$0x3FDB];
	_ =	sdelay $0x1  }
0x99: {  	s19 =	simm.s32 $_scs_section_size  }
0x9a: {  	s4 =	simm.s32 $_size__tile_overlayer_lowered;
	s5 =	simm.s32 $_tile_overlayer_lowered  }
0x9b: {  	s22 =	simm.s32 $0x1BFF;
	s21 =	sshll.u32 s5, $0x1;
	s2 =	sadd.s32 s19, s18  }
0x9c: {  	s6 =	simm.s32 $0x0;
	s20 =	sshll.u32 s4, $0x1;
	s4 =	sadd.s32 s21, s2  }
0x9d: {  	[timem:s6], [sflag:s22] =	dma.local [hbm:s4], s20  }
0x9e: {  	_ =	swait.ge [sflag:s22], s20  }
0x9f: {  	s3 =	ssub.s32 $0x0, s20;
	[sflag:s22] =	ssyncset.done $0x0  }
0xa0: {  	[sflag:s22] =	ssyncadd.s32 s3;
	_ =	sdelay $0x1  }
0xa1: {  	s23 =	simm.s32 $0x1B8B  }
0xa2: {  	_ =	swait.ge [sflag:s23], $0x1  }
0xa3: {  	[sflag:s23] =	ssyncset.done $0x0  }
0xa4: {  	s25 =	simm.s32 $0x1B8E;
	s24 =	sld [smem:$0x3FFE];
	[sflag:s23] =	ssyncadd.s32 $0xFFFFFFFF  }
0xa5: {  	s26 =	simm.s32 $execute0_lowered;
	[smem:$0x3FD2] =	sst s25  }
0xa6: {  	s4 =	sshll.u32 s26, $0x1;
	_ =	strace $0x80000046;
	[dreg:$0x1] =	wrdreg $0xFFFFFFFF  }
0xa7: {  	s28 =	simm.s32 $_size_execute0_lowered;
	s2 =	sadd.s32 s2, s4;
	[dreg:$0x0] =	wrdreg $0x0  }
0xa8: {  	s4 =	sshll.u32 s28, $0x1;
	[dreg:$0x2] =	wrdreg s2  }
0xa9: {  	[dreg:$0x3] =	wrdreg s4  }
0xaa: {  	[dreg:$0x4] =	wrdreg $0xC0  }
0xab: {  	_ =	task [dreg:s6], $0x5FFFF  }
0xac: {  	[dreg:$0x1] =	wrdreg $0xFFFFFFFF  }
0xad: {  	[dreg:$0x0] =	wrdreg $0x60  }
0xae: {  	[dreg:$0x2] =	wrdreg s24  }
0xaf: {  	[dreg:$0x3] =	wrdreg $0x9  }
0xb0: {  	_ =	task.clear_ibuf [dreg:s6], $0x4FFFF;
	_ =	strace $0x90000046  }
0xb1: {  	s29 =	simm.s32 $0x9;
	_ =	strace $0x80000048  }
0xb2: {  	_ =	swait.ge [sflag:s29], $0x1  }
0xb3: {  	[sflag:s29] =	ssyncadd.s32 $0xFFFFFFFF  }
0xb4: {  	_ =	strace $0x90000048  }
0xb5: {  	_ =	sfence  }
0xb6: {  	s30 =	sld [smem:$0x0];
	_ =	sdelay $0x2  }
0xb7: {  	s31 =	sshll.u32 s1, $0xD;
	s1 =	sshrl.u32 s1, $0x2  }
0xb8: {  	s3 =	sand.u32 $0x4000, s31;
	s1 =	sadd.s32 s1, s30  }
0xb9: {  	s0 =	sor.u32 s3, s0;
	s1 =	sshll.u32 s1, $0x11  }
0xba: {  	s0 =	sor.u32 s1, s0  }
0xbb: {  	s0 =	sadd.s32 $0x8F2B, s0  }
0xbc: {  	[sflag:s0] =	ssyncadd.remote.s32 $0x1  }
0xbd: {  	_ =	sfence.sel $0xFFFF  }
0xbe: {  	[dreg:$0x0] =	wrdreg $0xFFFFFFFF;
	(pc) =	sbr.abs _section_cstart, $3  }
0xbf: {  	[dreg:$0x1] =	wrdreg $0xFFFFFFFF  }
0xc0: {  	_ =	task.clear_ibuf [dreg:s6], $0x2FFFF;
	_ =	strace $0x9FFFFFFF  }
0xc1: {  	(tm) =	ssettm $0x7FFFFFFF  }
tec
execute0_lowered:
.L_overlay_start_1:
0x0: {  	(tag) =	ssettag $0x1  }
0x1: {  	s0 =	rddreg [dreg:$0x0];
	s2 =	simm.s32 $0x0;
	s1 =	srdreg.scid  }
0x2: {  	s7 =	stileid.u32;
	s10 =	simm.s32 $0x3;
	s11 =	simm.s32 $0x200  }
0x3: {  	s12 =	simm.s32 $0x80;
	s13 =	simm.s32 $0x400;
	s14 =	simm.s32 $0x4400  }
0x4: {  	s15 =	simm.s32 $0x1400;
	s16 =	simm.s32 $0x280;
	s17 =	simm.s32 $0x5400  }
0x5: {  	s18 =	simm.s32 $0x100;
	s19 =	simm.s32 $0x2400;
	s20 =	simm.s32 $0x300  }
0x6: {  	s21 =	simm.s32 $0x6400;
	s22 =	simm.s32 $0x180;
	s23 =	simm.s32 $0x3400  }
0x7: {  	s24 =	simm.s32 $0x380;
	s25 =	simm.s32 $0x7400;
	s5 =	smul.u32 $0x18800, s7  }
0x8: {  	s28 =	simm.s32 $0x2;
	s1 =	sand.u32 $0x1, s1;
	s7 =	smul.u32 $0x62000, s7  }
0x9: {  	s29 =	simm.s32 $0x0;
	[smem:$0x7FF] =	sst s2;
	s6 =	smul.u32 $0xC400, s1  }
0xa: {  	s3 =	sadd.s32 $0x63E00, s0;
	s26 =	ssub.s32 $0x2, s1;
	s1 =	smul.u32 $0x31000, s1  }
0xb: {  	s4 =	sadd.s32 $0x2200, s0;
	_ =	strace $0x80000047;
	s7 =	sadd.s32 s7, s0  }
0xc: {  	s8 =	sshrl.u32 s26, $0x1;
	s5 =	sadd.s32 s6, s5;
	s1 =	sadd.s32 s1, s7  }
0xd: {  	s30 =	ssub.s32 s26, s8;
	s26 =	simm.s32 $0x1;
	s31 =	sadd.s32 $0x747A00, s1  }
0xe: {  	s5 =	sshrl.u32 s5, $0x3;
	s1 =	sadd.s32 $0x127A00, s1;
	[dreg:$0x3] =	wrdreg s31  }
0xf: {  	s0 =	sadd.s32 s5, s0;
	s5 =	smax.u32 s30, $0x1;
	[dreg:$0x4] =	wrdreg s1  }
0x10: {  	[dreg:$0x2] =	wrdreg s5;
	s8 =	sadd.s32 $0xC5A00, s0;
	s9 =	sadd.s32 $0xF6A00, s0  }
.LBB2_1:
0x11: {  	s0 =	sadd.s32 $0x0, s9  }
0x12: {  	[tilespmem:s2], [sflag:$0x3] =	stream.linear.gather [hbm4b:s0+s2], $0x200, $0x38;
	[tilespmem:$0x8400] =	vst v63  }
0x13: {  	_ =	swait.ge [sflag:s10], $0x200  }
0x14: {  	[sflag:s10] =	ssyncset.done $0x0  }
0x15: {  	s7 =	sadd.s32 $0x0, s8;
	[sflag:s10] =	ssyncadd.s32 $0xFFFFFE00  }
0x16: {  	[tilespmem:s11], [sflag:$0x3] =	stream.linear.gather [hbm4b:s7+s2], $0x200, $0x38;
	[tilespmem:$0x8400] =	vst v63  }
0x17: {  	_ =	swait.ge [sflag:s10], $0x200  }
0x18: {  	[sflag:s10] =	ssyncset.done $0x0  }
0x19: {  	[sflag:s10] =	ssyncadd.s32 $0xFFFFFE00  }
0x1a: {  	[tilespmem:s13], [sflag:$0x1] =	stream.indirect.gather [hbm4b:s3+s12], $0x20, s2, s12, $0xb8;
	[tilespmem:$0x8400] =	vst v63  }
0x1b: {  	_ = 	snop  }
0x1c: {  	[tilespmem:s14], [sflag:$0x2] =	stream.indirect.gather [hbm4b:s4+s12], $0x20, s11, s12, $0xb8;
	[tilespmem:$0x8400] =	vst v63  }
0x1d: {  	_ = 	snop  }
0x1e: {  	[tilespmem:s15], [sflag:$0x1] =	stream.indirect.gather [hbm4b:s3+s12], $0x20, s12, s12, $0xb8;
	[tilespmem:$0x8400] =	vst v63  }
0x1f: {  	_ = 	snop  }
0x20: {  	[tilespmem:s17], [sflag:$0x2] =	stream.indirect.gather [hbm4b:s4+s12], $0x20, s16, s12, $0xb8;
	[tilespmem:$0x8400] =	vst v63  }
0x21: {  	_ = 	snop  }
0x22: {  	[tilespmem:s19], [sflag:$0x1] =	stream.indirect.gather [hbm4b:s3+s12], $0x20, s18, s12, $0xb8;
	[tilespmem:$0x8400] =	vst v63  }
0x23: {  	_ = 	snop  }
0x24: {  	[tilespmem:s21], [sflag:$0x2] =	stream.indirect.gather [hbm4b:s4+s12], $0x20, s20, s12, $0xb8;
	[tilespmem:$0x8400] =	vst v63  }
0x25: {  	_ = 	snop  }
0x26: {  	[tilespmem:s23], [sflag:$0x1] =	stream.indirect.gather [hbm4b:s3+s12], $0x20, s22, s12, $0xb8;
	[tilespmem:$0x8400] =	vst v63  }
0x27: {  	_ = 	snop  }
0x28: {  	[tilespmem:s25], [sflag:$0x2] =	stream.indirect.gather [hbm4b:s4+s12], $0x20, s24, s12, $0xb8;
	[tilespmem:$0x8400] =	vst v63  }
0x29: {  	_ =	swait.ge [sflag:s26], $0x1000  }
0x2a: {  	[sflag:s26] =	ssyncset.done $0x0  }
0x2b: {  	[sflag:s26] =	ssyncadd.s32 $0xFFFFF000  }
0x2c: {  	_ =	swait.ge [sflag:s28], $0x1000  }
0x2d: {  	[sflag:s28] =	ssyncset.done $0x0  }
0x2e: {  	[sflag:s28] =	ssyncadd.s32 $0xFFFFF000  }
0x2f: {  	_ =	swait.ge [sflag:s26], $0x1000  }
0x30: {  	[sflag:s26] =	ssyncset.done $0x0  }
0x31: {  	[sflag:s26] =	ssyncadd.s32 $0xFFFFF000  }
0x32: {  	_ =	swait.ge [sflag:s28], $0x1000  }
0x33: {  	[sflag:s28] =	ssyncset.done $0x0  }
0x34: {  	[sflag:s28] =	ssyncadd.s32 $0xFFFFF000  }
0x35: {  	_ =	swait.ge [sflag:s26], $0x1000  }
0x36: {  	[sflag:s26] =	ssyncset.done $0x0  }
0x37: {  	[sflag:s26] =	ssyncadd.s32 $0xFFFFF000  }
0x38: {  	_ =	swait.ge [sflag:s28], $0x1000  }
0x39: {  	[sflag:s28] =	ssyncset.done $0x0  }
0x3a: {  	[sflag:s28] =	ssyncadd.s32 $0xFFFFF000  }
0x3b: {  	_ =	swait.ge [sflag:s26], $0x1000  }
0x3c: {  	[sflag:s26] =	ssyncset.done $0x0  }
0x3d: {  	[sflag:s26] =	ssyncadd.s32 $0xFFFFF000  }
0x3e: {  	_ =	swait.ge [sflag:s28], $0x1000  }
0x3f: {  	[sflag:s28] =	ssyncset.done $0x0  }
0x40: {  	s6 =	rddreg [dreg:$0x4];
	[sflag:s28] =	ssyncadd.s32 $0xFFFFF000  }
0x41: {  	[hbm4b:s6+s2] =	stream.linear.scatter [tilespmem:s13], [sflag:$0x3], $0x4000, $0x38;
	[tilespmem:$0x8400] =	vst v63  }
0x42: {  	_ =	swait.ge [sflag:s10], $0x4000  }
0x43: {  	[sflag:s10] =	ssyncset.done $0x0  }
0x44: {  	s5 =	rddreg [dreg:$0x3];
	[sflag:s10] =	ssyncadd.s32 $0xFFFFC000  }
0x45: {  	[hbm4b:s5+s2] =	stream.linear.scatter [tilespmem:s14], [sflag:$0x3], $0x4000, $0x38;
	[tilespmem:$0x8400] =	vst v63  }
0x46: {  	s1 =	simm.s32 $0x80;
	s0 =	simm.s32 $0x40;
	_ =	swait.ge [sflag:s10], $0x4000  }
0x47: {  	s31 =	sadd.s32 $0x800, s6;
	s30 =	sadd.s32 $0x800, s5;
	[sflag:s10] =	ssyncset.done $0x0  }
.LBB2_2:
0x48: {  	s6 =	sadd.s32 s0, s9  }
0x49: {  	[sflag:s10] =	ssyncadd.s32 $0xFFFFC000;
	s7 =	smov.u32 s1;
	s5 =	sadd.s32 $0x40, s1  }
0x4a: {  	[tilespmem:s2], [sflag:$0x3] =	stream.linear.gather [hbm4b:s6+s2], $0x200, $0x38;
	[tilespmem:$0x8400] =	vst v63  }
0x4b: {  	p0 =	sne.s32 s1, $0x1840;
	_ =	swait.ge [sflag:s10], $0x200  }
0x4c: {  	[sflag:s10] =	ssyncset.done $0x0  }
0x4d: {  	s1 =	sadd.s32 s0, s8;
	s0 =	smov.u32 s7;
	[sflag:s10] =	ssyncadd.s32 $0xFFFFFE00  }
0x4e: {  	[tilespmem:s11], [sflag:$0x3] =	stream.linear.gather [hbm4b:s1+s2], $0x200, $0x38;
	[tilespmem:$0x8400] =	vst v63  }
0x4f: {  	_ =	swait.ge [sflag:s10], $0x200  }
0x50: {  	[sflag:s10] =	ssyncset.done $0x0  }
0x51: {  	[sflag:s10] =	ssyncadd.s32 $0xFFFFFE00  }
0x52: {  	[tilespmem:s13], [sflag:$0x1] =	stream.indirect.gather [hbm4b:s3+s12], $0x20, s2, s12, $0xb8;
	[tilespmem:$0x8400] =	vst v63  }
0x53: {  	_ = 	snop  }
0x54: {  	[tilespmem:s14], [sflag:$0x2] =	stream.indirect.gather [hbm4b:s4+s12], $0x20, s11, s12, $0xb8;
	[tilespmem:$0x8400] =	vst v63  }
0x55: {  	_ = 	snop  }
0x56: {  	[tilespmem:s15], [sflag:$0x1] =	stream.indirect.gather [hbm4b:s3+s12], $0x20, s12, s12, $0xb8;
	[tilespmem:$0x8400] =	vst v63  }
0x57: {  	_ = 	snop  }
0x58: {  	[tilespmem:s17], [sflag:$0x2] =	stream.indirect.gather [hbm4b:s4+s12], $0x20, s16, s12, $0xb8;
	[tilespmem:$0x8400] =	vst v63  }
0x59: {  	_ = 	snop  }
0x5a: {  	[tilespmem:s19], [sflag:$0x1] =	stream.indirect.gather [hbm4b:s3+s12], $0x20, s18, s12, $0xb8;
	[tilespmem:$0x8400] =	vst v63  }
0x5b: {  	_ = 	snop  }
0x5c: {  	[tilespmem:s21], [sflag:$0x2] =	stream.indirect.gather [hbm4b:s4+s12], $0x20, s20, s12, $0xb8;
	[tilespmem:$0x8400] =	vst v63  }
0x5d: {  	_ = 	snop  }
0x5e: {  	[tilespmem:s23], [sflag:$0x1] =	stream.indirect.gather [hbm4b:s3+s12], $0x20, s22, s12, $0xb8;
	[tilespmem:$0x8400] =	vst v63  }
0x5f: {  	_ = 	snop  }
0x60: {  	[tilespmem:s25], [sflag:$0x2] =	stream.indirect.gather [hbm4b:s4+s12], $0x20, s24, s12, $0xb8;
	[tilespmem:$0x8400] =	vst v63  }
0x61: {  	_ =	swait.ge [sflag:s26], $0x1000  }
0x62: {  	[sflag:s26] =	ssyncset.done $0x0  }
0x63: {  	[sflag:s26] =	ssyncadd.s32 $0xFFFFF000  }
0x64: {  	_ =	swait.ge [sflag:s28], $0x1000  }
0x65: {  	[sflag:s28] =	ssyncset.done $0x0  }
0x66: {  	[sflag:s28] =	ssyncadd.s32 $0xFFFFF000  }
0x67: {  	_ =	swait.ge [sflag:s26], $0x1000  }
0x68: {  	[sflag:s26] =	ssyncset.done $0x0  }
0x69: {  	[sflag:s26] =	ssyncadd.s32 $0xFFFFF000  }
0x6a: {  	_ =	swait.ge [sflag:s28], $0x1000  }
0x6b: {  	[sflag:s28] =	ssyncset.done $0x0  }
0x6c: {  	[sflag:s28] =	ssyncadd.s32 $0xFFFFF000  }
0x6d: {  	_ =	swait.ge [sflag:s26], $0x1000  }
0x6e: {  	[sflag:s26] =	ssyncset.done $0x0  }
0x6f: {  	[sflag:s26] =	ssyncadd.s32 $0xFFFFF000  }
0x70: {  	_ =	swait.ge [sflag:s28], $0x1000  }
0x71: {  	[sflag:s28] =	ssyncset.done $0x0  }
0x72: {  	[sflag:s28] =	ssyncadd.s32 $0xFFFFF000  }
0x73: {  	_ =	swait.ge [sflag:s26], $0x1000  }
0x74: {  	[sflag:s26] =	ssyncset.done $0x0  }
0x75: {  	[sflag:s26] =	ssyncadd.s32 $0xFFFFF000  }
0x76: {  	_ =	swait.ge [sflag:s28], $0x1000  }
0x77: {  	[sflag:s28] =	ssyncset.done $0x0  }
0x78: {  	[sflag:s28] =	ssyncadd.s32 $0xFFFFF000  }
0x79: {  	[hbm4b:s31+s2] =	stream.linear.scatter [tilespmem:s13], [sflag:$0x3], $0x4000, $0x38;
	[tilespmem:$0x8400] =	vst v63  }
0x7a: {  	_ =	swait.ge [sflag:s10], $0x4000  }
.Ltmp0:
0x7b: {  	[sflag:s10] =	ssyncset.done $0x0;
	(pc) =	sbr.rel @p0 .LBB2_2-.Ltmp0, $4  }
0x7c: {  	[sflag:s10] =	ssyncadd.s32 $0xFFFFC000  }
0x7d: {  	[hbm4b:s30+s2] =	stream.linear.scatter [tilespmem:s14], [sflag:$0x3], $0x4000, $0x38;
	[tilespmem:$0x8400] =	vst v63  }
0x7e: {  	s1 =	smov.u32 s5;
	_ =	swait.ge [sflag:s10], $0x4000  }
0x7f: {  	s31 =	sadd.s32 $0x800, s31;
	s30 =	sadd.s32 $0x800, s30;
	[sflag:s10] =	ssyncset.done $0x0  }
0x80: {  	s1 =	sadd.s32 s0, s9;
	[sflag:s10] =	ssyncadd.s32 $0xFFFFC000  }
0x81: {  	[tilespmem:s2], [sflag:$0x3] =	stream.linear.gather [hbm4b:s1+s2], $0x200, $0x38;
	[tilespmem:$0x8400] =	vst v63  }
0x82: {  	_ =	swait.ge [sflag:s10], $0x200  }
0x83: {  	[sflag:s10] =	ssyncset.done $0x0  }
0x84: {  	s7 =	sadd.s32 s0, s8;
	[sflag:s10] =	ssyncadd.s32 $0xFFFFFE00  }
0x85: {  	[tilespmem:s11], [sflag:$0x3] =	stream.linear.gather [hbm4b:s7+s2], $0x200, $0x38;
	[tilespmem:$0x8400] =	vst v63  }
0x86: {  	_ =	swait.ge [sflag:s10], $0x200  }
0x87: {  	[sflag:s10] =	ssyncset.done $0x0  }
0x88: {  	[sflag:s10] =	ssyncadd.s32 $0xFFFFFE00  }
0x89: {  	[tilespmem:s13], [sflag:$0x1] =	stream.indirect.gather [hbm4b:s3+s12], $0x20, s2, s12, $0xb8;
	[tilespmem:$0x8400] =	vst v63  }
0x8a: {  	_ = 	snop  }
0x8b: {  	[tilespmem:s14], [sflag:$0x2] =	stream.indirect.gather [hbm4b:s4+s12], $0x20, s11, s12, $0xb8;
	[tilespmem:$0x8400] =	vst v63  }
0x8c: {  	_ = 	snop  }
0x8d: {  	[tilespmem:s15], [sflag:$0x1] =	stream.indirect.gather [hbm4b:s3+s12], $0x20, s12, s12, $0xb8;
	[tilespmem:$0x8400] =	vst v63  }
0x8e: {  	_ = 	snop  }
0x8f: {  	[tilespmem:s17], [sflag:$0x2] =	stream.indirect.gather [hbm4b:s4+s12], $0x20, s16, s12, $0xb8;
	[tilespmem:$0x8400] =	vst v63  }
0x90: {  	_ = 	snop  }
0x91: {  	[tilespmem:s19], [sflag:$0x1] =	stream.indirect.gather [hbm4b:s3+s12], $0x20, s18, s12, $0xb8;
	[tilespmem:$0x8400] =	vst v63  }
0x92: {  	_ = 	snop  }
0x93: {  	[tilespmem:s21], [sflag:$0x2] =	stream.indirect.gather [hbm4b:s4+s12], $0x20, s20, s12, $0xb8;
	[tilespmem:$0x8400] =	vst v63  }
0x94: {  	_ = 	snop  }
0x95: {  	[tilespmem:s23], [sflag:$0x1] =	stream.indirect.gather [hbm4b:s3+s12], $0x20, s22, s12, $0xb8;
	[tilespmem:$0x8400] =	vst v63  }
0x96: {  	_ = 	snop  }
0x97: {  	[tilespmem:s25], [sflag:$0x2] =	stream.indirect.gather [hbm4b:s4+s12], $0x20, s24, s12, $0xb8;
	[tilespmem:$0x8400] =	vst v63  }
0x98: {  	_ =	swait.ge [sflag:s26], $0x1000  }
0x99: {  	[sflag:s26] =	ssyncset.done $0x0  }
0x9a: {  	[sflag:s26] =	ssyncadd.s32 $0xFFFFF000  }
0x9b: {  	_ =	swait.ge [sflag:s28], $0x1000  }
0x9c: {  	[sflag:s28] =	ssyncset.done $0x0  }
0x9d: {  	[sflag:s28] =	ssyncadd.s32 $0xFFFFF000  }
0x9e: {  	_ =	swait.ge [sflag:s26], $0x1000  }
0x9f: {  	[sflag:s26] =	ssyncset.done $0x0  }
0xa0: {  	[sflag:s26] =	ssyncadd.s32 $0xFFFFF000  }
0xa1: {  	_ =	swait.ge [sflag:s28], $0x1000  }
0xa2: {  	[sflag:s28] =	ssyncset.done $0x0  }
0xa3: {  	[sflag:s28] =	ssyncadd.s32 $0xFFFFF000  }
0xa4: {  	_ =	swait.ge [sflag:s26], $0x1000  }
0xa5: {  	[sflag:s26] =	ssyncset.done $0x0  }
0xa6: {  	[sflag:s26] =	ssyncadd.s32 $0xFFFFF000  }
0xa7: {  	_ =	swait.ge [sflag:s28], $0x1000  }
0xa8: {  	[sflag:s28] =	ssyncset.done $0x0  }
0xa9: {  	[sflag:s28] =	ssyncadd.s32 $0xFFFFF000  }
0xaa: {  	_ =	swait.ge [sflag:s26], $0x1000  }
0xab: {  	[sflag:s26] =	ssyncset.done $0x0  }
0xac: {  	[sflag:s26] =	ssyncadd.s32 $0xFFFFF000  }
0xad: {  	_ =	swait.ge [sflag:s28], $0x1000  }
0xae: {  	[sflag:s28] =	ssyncset.done $0x0  }
0xaf: {  	[sflag:s28] =	ssyncadd.s32 $0xFFFFF000  }
0xb0: {  	[hbm4b:s31+s2] =	stream.linear.scatter [tilespmem:s13], [sflag:$0x3], $0x4000, $0x38;
	[tilespmem:$0x8400] =	vst v63  }
0xb1: {  	_ =	swait.ge [sflag:s10], $0x4000  }
0xb2: {  	[sflag:s10] =	ssyncset.done $0x0  }
0xb3: {  	[sflag:s10] =	ssyncadd.s32 $0xFFFFC000  }
0xb4: {  	[hbm4b:s30+s2] =	stream.linear.scatter [tilespmem:s14], [sflag:$0x3], $0x4000, $0x38;
	[tilespmem:$0x8400] =	vst v63  }
0xb5: {  	_ =	swait.ge [sflag:s10], $0x4000  }
0xb6: {  	s29 =	sadd.s32 $0x1, s29;
	s31 =	rddreg [dreg:$0x2]  }
0xb7: {  	p0 =	sne.s32 s29, s31  }
.Ltmp1:
0xb8: {  	_ = 	snop;
	(pc) =	sbr.rel @p0 .LBB2_1-.Ltmp1, $3  }
0xb9: {  	_ =	sdelay $0x1  }
0xba: {  	[sflag:s10] =	ssyncset.done $0x0  }
0xbb: {  	[sflag:s10] =	ssyncadd.s32 $0xFFFFC000  }
0xbc: {  	_ =	sfence.sel $0x180000  }
0xbd: {  	[bflag:$0x0] =	sbarrier.arrive $0xFFFF  }
0xbe: {  	_ =	strace $0x90000047  }
0xbf: {  	s0 =	stileid.u32;
	[bflag:$0x2] =	sbarrier.arrive $0xFFFF  }
0xc0: {  	p0 =	sne.s32 s0, $0x0;
	s0 =	rddreg [dreg:$0x1]  }
0xc1: {  	s0 =	sadd.s32 @!p0 $0x100000, s0  }
0xc2: {  	[sflag:s0] =	ssyncadd.tile.s32 @!p0 $0x1;
	_ =	shalt  }
.Lfunc_end2:
_tile_overlayer_lowered:
.L_overlay_start_2:
0xc3: {  	(tag) =	ssettag $0x2  }
0xc4: {  	s0 =	rddreg [dreg:$0x0];
	s2 =	stileid.u32  }
0xc5: {  	s1 =	rddreg [dreg:$0x1];
	p0 =	sne.s32 s2, $0x0  }
0xc6: {  	s3 =	rddreg [dreg:$0x2];
	[bflag:$0x3] =	sbarrier.arrive $0xFFFF;
	s2 =	simm.s32 @!p0 $0x1C03  }
0xc7: {  	[timem:s3], [sflag:s2] =	dma.local @!p0 [hbm:s0], s1  }
0xc8: {  	s0 =	simm.s32 @!p0 $0x3  }
0xc9: {  	_ =	swait.ge @!p0 [sflag:s0], s1  }
0xca: {  	s1 =	ssub.s32 @!p0 $0x0, s1;
	[sflag:s0] =	ssyncset.done @!p0 $0x0  }
0xcb: {  	[sflag:s0] =	ssyncadd.s32 @!p0 s1  }
0xcc: {  	[bflag:$0x3] =	sbarrier.arrive $0xFFFF  }
0xcd: {  	_ =	shalt  }

</sc_bundles>
